<compile_context>
chip_gen: v7x
topology: tpu7x:2x2x1
jax: 0.10.2.dev20260603
libtpu: 0.0.44.dev20260713+nightly
codegen_flags: <defaults>
</compile_context>

<pallas_src>
import functools

import jax
import jax.numpy as jnp
from jax import lax
from jax.experimental import pallas as pl
from jax.experimental.pallas import tpu as pltpu
from jax.experimental.pallas import tpu_sc as plsc

NC = 2
NS = 16
NW = NC * NS
LANES = 16

BT = 2000
CH = 1000
CD = 5000


def _ceil_to(a, m):
    return (a + m - 1) // m * m


def _rsqrt16(d):
    i = lax.bitcast_convert_type(d, jnp.int32)
    i = 0x5F3759DF - lax.shift_right_logical(i, 1)
    y = lax.bitcast_convert_type(i, jnp.float32)
    for _ in range(3):
        y = y * (1.5 - 0.5 * d * y * y)
    return y


def _make_deg_kernel(epad, npad):
    epw = epad // NW
    ncd = epw // CD
    mesh = plsc.VectorSubcoreMesh(
        core_axis_name="c", subcore_axis_name="s",
        num_cores=NC, num_subcores=NS)
    params = pltpu.CompilerParams(
        use_tc_tiling_on_sc=False, needs_layout_passes=False)
    slice_n = npad // NS

    @functools.partial(
        pl.kernel,
        out_type=(jax.ShapeDtypeStruct((npad,), jnp.float32),
                  jax.ShapeDtypeStruct((npad,), jnp.float32)),
        mesh=mesh,
        scratch_types=[
            pltpu.VMEM((CD,), jnp.int32),
            pltpu.VMEM((CD,), jnp.float32),
            pltpu.VMEM((slice_n,), jnp.float32),
            pltpu.VMEM_SHARED((npad,), jnp.float32),
        ],
        compiler_params=params,
    )
    def deg_kernel(col_hbm, ew_hbm, out0_hbm, out1_hbm, col_v, ew_v, zb, acc):
        c = lax.axis_index("c")
        s = lax.axis_index("s")
        w = c * NS + s

        def zb_body(i, _):
            zb[pl.ds(pl.multiple_of(i * LANES, LANES), LANES)] = (
                jnp.zeros((LANES,), jnp.float32))
            return _
        lax.fori_loop(0, slice_n // LANES, zb_body, 0)
        r0 = pl.multiple_of(s * slice_n, 8)
        pltpu.sync_copy(zb, acc.at[pl.ds(r0, slice_n)])
        plsc.subcore_barrier()

        def chunk_body(k, _):
            base = pl.multiple_of(w * epw + k * CD, 8)
            pltpu.sync_copy(col_hbm.at[pl.ds(base, CD)], col_v)
            pltpu.sync_copy(ew_hbm.at[pl.ds(base, CD)], ew_v)
            pltpu.sync_copy(ew_v, acc.at[col_v], add=True)
            return _
        lax.fori_loop(0, ncd, chunk_body, 0)
        plsc.subcore_barrier()

        @pl.when(c == 0)
        def _():
            pltpu.sync_copy(acc.at[pl.ds(r0, slice_n)],
                            out0_hbm.at[pl.ds(r0, slice_n)])

        @pl.when(c == 1)
        def _():
            pltpu.sync_copy(acc.at[pl.ds(r0, slice_n)],
                            out1_hbm.at[pl.ds(r0, slice_n)])

    return deg_kernel


def _make_msg_kernel(epad, npad, lags):
    epw = epad // NW
    nch = epw // CH
    dc = 800
    mesh = plsc.VectorSubcoreMesh(
        core_axis_name="c", subcore_axis_name="s",
        num_cores=NC, num_subcores=NS)
    params = pltpu.CompilerParams(
        use_tc_tiling_on_sc=False, needs_layout_passes=False)
    slice_n = npad // NS

    @functools.partial(
        pl.kernel,
        out_type=(jax.ShapeDtypeStruct((npad, lags), jnp.float32),
                  jax.ShapeDtypeStruct((npad, lags), jnp.float32)),
        mesh=mesh,
        scratch_types=[
            pltpu.VMEM((CH,), jnp.int32),
            pltpu.VMEM((CH,), jnp.int32),
            pltpu.VMEM((CH,), jnp.float32),
            pltpu.VMEM((CH, lags), jnp.float32),
            pltpu.VMEM((dc,), jnp.float32),
            pltpu.VMEM((dc,), jnp.float32),
            pltpu.VMEM((dc,), jnp.float32),
            pltpu.VMEM((dc, lags), jnp.float32),
            pltpu.VMEM_SHARED((npad, lags), jnp.float32),
            pltpu.VMEM_SHARED((npad, lags), jnp.float32),
            pltpu.SemaphoreType.DMA,
        ],
        compiler_params=params,
    )
    def msg_kernel(row_hbm, col_hbm, ew_hbm, x_hbm, degp0_hbm, degp1_hbm,
                   out0_hbm, out1_hbm,
                   row_v, col_v, ew_v, xr_v,
                   da_v, db_v, dv_v, xst_v, xs_sh, acc, sem):
        c = lax.axis_index("c")
        s = lax.axis_index("s")
        w = c * NS + s

        iota = lax.iota(jnp.int32, LANES)
        half = lax.shift_right_logical(iota, 3)
        lane8 = lax.bitwise_and(iota, 7)

        def zx_body(j, _):
            plsc.store_scatter(xr_v, [j * 2 + half, lane8],
                               jnp.zeros((LANES,), jnp.float32))
            return _
        lax.fori_loop(0, CH * lags // LANES, zx_body, 0)

        r0 = pl.multiple_of(s * slice_n, 8)
        nfull = slice_n // CH
        rem = slice_n - nfull * CH

        def zacc_body(i, _):
            o = pl.multiple_of(i * CH, 8)
            pltpu.sync_copy(xr_v, acc.at[pl.ds(r0 + o, CH)])
            return _
        lax.fori_loop(0, nfull, zacc_body, 0)
        if rem:
            pltpu.sync_copy(xr_v.at[pl.ds(0, rem)],
                            acc.at[pl.ds(r0 + nfull * CH, rem)])

        def xs_chunk(kk, _):
            off = pl.multiple_of(r0 + kk * dc, 8)
            pltpu.sync_copy(degp0_hbm.at[pl.ds(off, dc)], da_v)
            pltpu.sync_copy(degp1_hbm.at[pl.ds(off, dc)], db_v)
            pltpu.sync_copy(x_hbm.at[pl.ds(off, dc)], xst_v)

            def dinv_vec(j, _):
                o = pl.multiple_of(j * LANES, LANES)
                d = 1.0 + da_v[pl.ds(o, LANES)] + db_v[pl.ds(o, LANES)]
                dv_v[pl.ds(o, LANES)] = _rsqrt16(d)
                return _
            lax.fori_loop(0, dc // LANES, dinv_vec, 0)

            def xsc_vec(i, _):
                ir = i * 2 + half
                dvv = plsc.load_gather(dv_v, [ir])
                xv = plsc.load_gather(xst_v, [ir, lane8])
                plsc.store_scatter(xst_v, [ir, lane8], xv * dvv)
                return _
            lax.fori_loop(0, dc * lags // LANES, xsc_vec, 0)

            pltpu.sync_copy(xst_v, xs_sh.at[pl.ds(off, dc)])
            return _
        lax.fori_loop(0, slice_n // dc, xs_chunk, 0)

        plsc.subcore_barrier()

        def edge_chunk(k, _):
            base = pl.multiple_of(w * epw + k * CH, 8)
            pltpu.sync_copy(row_hbm.at[pl.ds(base, CH)], row_v)
            pltpu.sync_copy(col_hbm.at[pl.ds(base, CH)], col_v)
            pltpu.sync_copy(ew_hbm.at[pl.ds(base, CH)], ew_v)

            pltpu.async_copy(xs_sh.at[row_v], xr_v, sem).wait()

            def scale_body(i, _):
                ir = i * 2 + half
                nv = plsc.load_gather(ew_v, [ir])
                xv = plsc.load_gather(xr_v, [ir, lane8])
                plsc.store_scatter(xr_v, [ir, lane8], xv * nv)
                return _
            lax.fori_loop(0, CH * lags // LANES, scale_body, 0)

            pltpu.sync_copy(xr_v, acc.at[col_v], add=True)
            return _
        lax.fori_loop(0, nch, edge_chunk, 0)

        plsc.subcore_barrier()

        @pl.when(c == 0)
        def _():
            pltpu.sync_copy(acc.at[pl.ds(r0, slice_n)],
                            out0_hbm.at[pl.ds(r0, slice_n)])

        @pl.when(c == 1)
        def _():
            pltpu.sync_copy(acc.at[pl.ds(r0, slice_n)],
                            out1_hbm.at[pl.ds(r0, slice_n)])

    return msg_kernel


def _tc_body(d0_ref, d1_ref, sxp0_ref, sxp1_ref, x_ref, h_ref,
             az_ref, bz_ref, cz_ref, ar_ref, br_ref, cr_ref,
             ah_ref, bh_ref, chh_ref, lwt_ref, lb_ref,
             y_ref, hn_ref):
    deg = 1.0 + d0_ref[...] + d1_ref[...]
    dinv = jax.lax.rsqrt(deg)
    sx = dinv * (sxp0_ref[...] + sxp1_ref[...]) + x_ref[...] / deg
    h = h_ref[...]
    dot = lambda a, b: jnp.dot(a, b, preferred_element_type=jnp.float32)
    z = jax.nn.sigmoid(dot(sx, az_ref[...]) + dot(h, bz_ref[...])
                       + cz_ref[...])
    r = jax.nn.sigmoid(dot(sx, ar_ref[...]) + dot(h, br_ref[...])
                       + cr_ref[...])
    ht = jnp.tanh(dot(sx, ah_ref[...]) + dot(h * r, bh_ref[...])
                  + chh_ref[...])
    hn = z * h + (1.0 - z) * ht
    hn_ref[...] = hn
    y_ref[...] = jnp.sum(jnp.maximum(hn, 0.0) * lwt_ref[...],
                         axis=1, keepdims=True) + lb_ref[...]


def kernel(x, edge_index, edge_weight, prev_hidden_state,
           Wz, bz, Wr, br, Wh, bh,
           Lz_W, Lz_b, Lr_W, Lr_b, Lh_W, Lh_b,
           lin_W, lin_b):
    n, lags = x.shape
    f = Wz.shape[1]
    e = edge_weight.shape[0]

    npad = _ceil_to(n, 51200)
    epad = _ceil_to(e, NW * CD)

    row = edge_index[0]
    col = edge_index[1]
    pe = epad - e
    if pe:
        rowp = jnp.pad(row, (0, pe))
        colp = jnp.pad(col, (0, pe))
        ewp = jnp.pad(edge_weight, (0, pe))
    else:
        rowp, colp, ewp = row, col, edge_weight
    xp = jnp.pad(x, ((0, npad - n), (0, 0)))

    degp0, degp1 = _make_deg_kernel(epad, npad)(colp, ewp)
    sxp0, sxp1 = _make_msg_kernel(epad, npad, lags)(
        rowp, colp, ewp, xp, degp0, degp1)

    az = Wz @ Lz_W[:f]
    bz_l = Lz_W[f:]
    cz = (bz @ Lz_W[:f] + Lz_b).reshape(1, f)
    ar = Wr @ Lr_W[:f]
    br_l = Lr_W[f:]
    cr = (br @ Lr_W[:f] + Lr_b).reshape(1, f)
    ah = Wh @ Lh_W[:f]
    bh_l = Lh_W[f:]
    ch = (bh @ Lh_W[:f] + Lh_b).reshape(1, f)
    lwt = lin_W.reshape(1, f)
    lb = lin_b.reshape(1, 1)

    assert n % BT == 0
    grid = (n // BT,)
    full = lambda shape: pl.BlockSpec(shape, lambda i: (0,) * len(shape))
    y_out, hn_out = pl.pallas_call(
        _tc_body,
        grid=grid,
        in_specs=[
            pl.BlockSpec((BT, 1), lambda i: (i, 0)),
            pl.BlockSpec((BT, 1), lambda i: (i, 0)),
            pl.BlockSpec((BT, lags), lambda i: (i, 0)),
            pl.BlockSpec((BT, lags), lambda i: (i, 0)),
            pl.BlockSpec((BT, lags), lambda i: (i, 0)),
            pl.BlockSpec((BT, f), lambda i: (i, 0)),
            full((lags, f)), full((f, f)), full((1, f)),
            full((lags, f)), full((f, f)), full((1, f)),
            full((lags, f)), full((f, f)), full((1, f)),
            full((1, f)), full((1, 1)),
        ],
        out_specs=[
            pl.BlockSpec((BT, 1), lambda i: (i, 0)),
            pl.BlockSpec((BT, f), lambda i: (i, 0)),
        ],
        out_shape=[
            jax.ShapeDtypeStruct((n, 1), jnp.float32),
            jax.ShapeDtypeStruct((n, f), jnp.float32),
        ],
    )(degp0.reshape(npad, 1), degp1.reshape(npad, 1), sxp0, sxp1,
      xp, prev_hidden_state, az, bz_l, cz, ar, br_l, cr, ah, bh_l, ch,
      lwt, lb)

    return (y_out, hn_out)

# --- scband reference (transcript-rebuilt; emitter-appended) ---
"""Pipeline reference for scband-tgcn-recurrent-gcn-16192026706539 (READ-ONLY COPY).

The authoritative reference and input builder live on the scoring server;
editing this copy changes nothing except your own understanding.
"""

import jax, jax.numpy as jnp
import numpy as np

N = 100000
E = 1600000
LAGS = 8
FILTERS = 32


def _glorot(key, shape):
    fan_in = shape[0]
    return jax.random.normal(key, shape, dtype=jnp.float32) * (1.0 / np.sqrt(fan_in))


def setup_inputs(seed: int = 0) -> dict:
    key = jax.random.key(seed)
    ks = jax.random.split(key, 24)
    inp = {}
    inp["x"] = jax.random.normal(ks[0], (N, LAGS), dtype=jnp.float32)
    inp["edge_index"] = jax.random.randint(ks[1], (2, E), 0, N, dtype=jnp.int32)
    inp["edge_weight"] = jax.random.uniform(ks[2], (E,), dtype=jnp.float32)
    inp["prev_hidden_state"] = jnp.zeros((N, FILTERS), dtype=jnp.float32)
    # GCNConv weights for z, r, h gates: W [LAGS, FILTERS], bias [FILTERS]
    inp["Wz"] = _glorot(ks[3], (LAGS, FILTERS)); inp["bz"] = jnp.zeros((FILTERS,), jnp.float32)
    inp["Wr"] = _glorot(ks[4], (LAGS, FILTERS)); inp["br"] = jnp.zeros((FILTERS,), jnp.float32)
    inp["Wh"] = _glorot(ks[5], (LAGS, FILTERS)); inp["bh"] = jnp.zeros((FILTERS,), jnp.float32)
    # gate linears: in=2*FILTERS, out=FILTERS (stored as [in, out])
    inp["Lz_W"] = _glorot(ks[6], (2 * FILTERS, FILTERS)); inp["Lz_b"] = jnp.zeros((FILTERS,), jnp.float32)
    inp["Lr_W"] = _glorot(ks[7], (2 * FILTERS, FILTERS)); inp["Lr_b"] = jnp.zeros((FILTERS,), jnp.float32)
    inp["Lh_W"] = _glorot(ks[8], (2 * FILTERS, FILTERS)); inp["Lh_b"] = jnp.zeros((FILTERS,), jnp.float32)
    # final readout linear FILTERS -> 1
    inp["lin_W"] = _glorot(ks[9], (FILTERS, 1)); inp["lin_b"] = jnp.zeros((1,), jnp.float32)
    return inp


def _gcn_conv(x, row, col, ew, W, b):
    # PyG GCNConv with add_self_loops=True, improved=False
    num_nodes = x.shape[0]
    loop = jnp.arange(num_nodes, dtype=row.dtype)
    row2 = jnp.concatenate([row, loop])
    col2 = jnp.concatenate([col, loop])
    ew2 = jnp.concatenate([ew, jnp.ones((num_nodes,), dtype=ew.dtype)])
    deg = jnp.zeros((num_nodes,), dtype=ew.dtype).at[col2].add(ew2)
    dinv = jnp.where(deg > 0, jax.lax.rsqrt(jnp.maximum(deg, 1e-30)), 0.0)
    norm = dinv[row2] * ew2 * dinv[col2]
    xw = x @ W
    msg = xw[row2] * norm[:, None]
    out = jnp.zeros((num_nodes, W.shape[1]), dtype=xw.dtype).at[col2].add(msg)
    return out + b


def reference(x, edge_index, edge_weight, prev_hidden_state,
              Wz, bz, Wr, br, Wh, bh,
              Lz_W, Lz_b, Lr_W, Lr_b, Lh_W, Lh_b,
              lin_W, lin_b):
    row = edge_index[0]
    col = edge_index[1]
    H = prev_hidden_state
    # update gate
    Z = jnp.concatenate([_gcn_conv(x, row, col, edge_weight, Wz, bz), H], axis=1)
    Z = jax.nn.sigmoid(Z @ Lz_W + Lz_b)
    # reset gate
    R = jnp.concatenate([_gcn_conv(x, row, col, edge_weight, Wr, br), H], axis=1)
    R = jax.nn.sigmoid(R @ Lr_W + Lr_b)
    # candidate state
    Ht = jnp.concatenate([_gcn_conv(x, row, col, edge_weight, Wh, bh), H * R], axis=1)
    Ht = jnp.tanh(Ht @ Lh_W + Lh_b)
    H_new = Z * H + (1.0 - Z) * Ht
    y = jax.nn.relu(H_new) @ lin_W + lin_b
    return (y, H_new)

if __name__ == "__main__":
    import jax
    _d = setup_inputs()
    print(jax.jit(kernel)(*tuple(_d.values())))

</pallas_src>

<mosaic_0001>
#map = affine_map<(d0, d1) -> (0)>
#map1 = affine_map<(d0, d1) -> (0, 0)>
module attributes {stable_mosaic.version = 14 : i64} {
  func.func @msg_kernel(%arg0: i32, %arg1: i32, %arg2: memref<1600000xi32, #tpu.memory_space<hbm>>, %arg3: memref<1600000xi32, #tpu.memory_space<hbm>>, %arg4: memref<1600000xf32, #tpu.memory_space<hbm>>, %arg5: memref<102400x8xf32, #tpu.memory_space<hbm>>, %arg6: memref<102400xf32, #tpu.memory_space<hbm>>, %arg7: memref<102400xf32, #tpu.memory_space<hbm>>, %arg8: memref<102400x8xf32, #tpu.memory_space<hbm>>, %arg9: memref<102400x8xf32, #tpu.memory_space<hbm>>, %arg10: memref<1000xi32, #tpu.memory_space<vmem>>, %arg11: memref<1000xi32, #tpu.memory_space<vmem>>, %arg12: memref<1000xf32, #tpu.memory_space<vmem>>, %arg13: memref<1000x8xf32, #tpu.memory_space<vmem>>, %arg14: memref<800xf32, #tpu.memory_space<vmem>>, %arg15: memref<800xf32, #tpu.memory_space<vmem>>, %arg16: memref<800xf32, #tpu.memory_space<vmem>>, %arg17: memref<800x8xf32, #tpu.memory_space<vmem>>, %arg18: memref<102400x8xf32, #tpu.memory_space<vmem_shared>>, %arg19: memref<102400x8xf32, #tpu.memory_space<vmem_shared>>, %arg20: memref<!tpu.dma_semaphore, #tpu.memory_space<semaphore_mem>>) attributes {dimension_semantics = [#tpu.dimension_semantics<core_parallel>, #tpu.dimension_semantics<subcore_parallel>], iteration_bounds = array<i64: 2, 16>, scalar_prefetch = 0 : i64, scratch_operands = 11 : i64, tpu.core_type = #tpu.core_type<sc_vector_subcore>, window_params = [{transform_indices = #map}, {transform_indices = #map}, {transform_indices = #map}, {transform_indices = #map1}, {transform_indices = #map}, {transform_indices = #map}, {transform_indices = #map1}, {transform_indices = #map1}]} {
    %mul3A = arith.constant 16 : i32
    %mul3A_0 = arith.muli %arg0, %mul3A : i32
    %add3A = arith.addi %mul3A_0, %arg1 : i32
    %iota3A = tpu.iota {dimensions = array<i32: 0>} : vector<16xi32>
    %shift_right_logical3A = arith.constant 3 : i32
    %shift_right_logical3A_1 = vector.broadcast %shift_right_logical3A : i32 to vector<16xi32>
    %shift_right_logical3A_2 = arith.shrui %iota3A, %shift_right_logical3A_1 : vector<16xi32>
    %and3A = arith.constant 7 : i32
    %and3A_3 = vector.broadcast %and3A : i32 to vector<16xi32>
    %and3A_4 = arith.andi %iota3A, %and3A_3 : vector<16xi32>
    %scan3A = arith.constant 0 : i32
    %scan3A_5 = arith.constant 0 : i32
    %scan3A_6 = arith.constant 500 : i32
    %scan3A_7 = arith.addi %scan3A_5, %scan3A_6 : i32
    %scan3A_8 = arith.constant 1 : i32
    scf.for %scan3A_40 = %scan3A_5 to %scan3A_7 step %scan3A_8  : i32 {
      %mul3A_41 = arith.constant 2 : i32
      %mul3A_42 = arith.muli %scan3A_40, %mul3A_41 : i32
      %add3A_43 = vector.broadcast %mul3A_42 : i32 to vector<16xi32>
      %add3A_44 = arith.addi %add3A_43, %shift_right_logical3A_2 : vector<16xi32>
      %broadcast_in_dim3A = arith.constant 0.000000e+00 : f32
      %broadcast_in_dim3A_45 = vector.broadcast %broadcast_in_dim3A : f32 to vector<16xf32>
      tpu.vector_store_idx %arg13[%add3A_44, %and3A_4], %broadcast_in_dim3A_45 : memref<1000x8xf32, #tpu.memory_space<vmem>>[vector<16xi32>, vector<16xi32>], vector<16xf32>,
    }
    %scan3A_9 = arith.constant 500 : i32
    %mul3A_10 = arith.constant 6400 : i32
    %mul3A_11 = arith.muli %arg1, %mul3A_10 : i32
    %multiple_of3A = tpu.assume_multiple %mul3A_11, 8 : i32
    %scan3A_12 = arith.constant 0 : i32
    %scan3A_13 = arith.constant 0 : i32
    %scan3A_14 = arith.constant 6 : i32
    %scan3A_15 = arith.addi %scan3A_13, %scan3A_14 : i32
    %scan3A_16 = arith.constant 1 : i32
    scf.for %scan3A_40 = %scan3A_13 to %scan3A_15 step %scan3A_16  : i32 {
      %mul3A_41 = arith.constant 1000 : i32
      %mul3A_42 = arith.muli %scan3A_40, %mul3A_41 : i32
      %multiple_of3A_43 = tpu.assume_multiple %mul3A_42, 8 : i32
      %add3A_44 = arith.addi %multiple_of3A, %multiple_of3A_43 : i32
      "tpu.region"() ({
        %run_scoped3A = tpu.sem_alloc : memref<!tpu.dma_semaphore, #tpu.memory_space<semaphore_mem>>
        %dma_start3A = arith.constant 0 : i32
        %dma_start3A_45 = tpu.memref_slice %arg19[%add3A_44, %dma_start3A] : memref<102400x8xf32, #tpu.memory_space<vmem_shared>> -> memref<1000x8xf32, #tpu.memory_space<vmem_shared>>
        %dma_start3A_46 = arith.constant 0 : i32
        %dma_start3A_47 = tpu.memref_slice %arg19[%add3A_44, %dma_start3A_46] : memref<102400x8xf32, #tpu.memory_space<vmem_shared>> -> memref<1000x8xf32, #tpu.memory_space<vmem_shared>>
        tpu.enqueue_dma source(%arg13 : memref<1000x8xf32, #tpu.memory_space<vmem>>) target(%dma_start3A_47 : memref<1000x8xf32, #tpu.memory_space<vmem_shared>>) target_semaphore(%run_scoped3A : memref<!tpu.dma_semaphore, #tpu.memory_space<semaphore_mem>>)
        %dma_wait3A = arith.constant 0 : i32
        %dma_wait3A_48 = tpu.memref_slice %arg19[%add3A_44, %dma_wait3A] : memref<102400x8xf32, #tpu.memory_space<vmem_shared>> -> memref<1000x8xf32, #tpu.memory_space<vmem_shared>>
        %dma_wait3A_49 = arith.constant 0 : i32
        %dma_wait3A_50 = tpu.memref_slice %arg19[%add3A_44, %dma_wait3A_49] : memref<102400x8xf32, #tpu.memory_space<vmem_shared>> -> memref<1000x8xf32, #tpu.memory_space<vmem_shared>>
        tpu.wait_dma2 semaphore(%run_scoped3A : memref<!tpu.dma_semaphore, #tpu.memory_space<semaphore_mem>>) src(%arg13 : memref<1000x8xf32, #tpu.memory_space<vmem>>) dst(%dma_wait3A_50 : memref<1000x8xf32, #tpu.memory_space<vmem_shared>>)
        tpu.yield
      }) : () -> ()
    }
    %scan3A_17 = arith.constant 6 : i32
    %add3A_18 = arith.constant 6000 : i32
    %add3A_19 = arith.addi %multiple_of3A, %add3A_18 : i32
    "tpu.region"() ({
      %run_scoped3A = tpu.sem_alloc : memref<!tpu.dma_semaphore, #tpu.memory_space<semaphore_mem>>
      %dma_start3A = arith.constant 0 : i32
      %dma_start3A_40 = arith.constant 0 : i32
      %dma_start3A_41 = tpu.memref_slice %arg13[%dma_start3A, %dma_start3A_40] : memref<1000x8xf32, #tpu.memory_space<vmem>> -> memref<400x8xf32, #tpu.memory_space<vmem>>
      %dma_start3A_42 = arith.constant 0 : i32
      %dma_start3A_43 = tpu.memref_slice %arg19[%add3A_19, %dma_start3A_42] : memref<102400x8xf32, #tpu.memory_space<vmem_shared>> -> memref<400x8xf32, #tpu.memory_space<vmem_shared>>
      %dma_start3A_44 = arith.constant 0 : i32
      %dma_start3A_45 = tpu.memref_slice %arg19[%add3A_19, %dma_start3A_44] : memref<102400x8xf32, #tpu.memory_space<vmem_shared>> -> memref<400x8xf32, #tpu.memory_space<vmem_shared>>
      %dma_start3A_46 = arith.constant 0 : i32
      %dma_start3A_47 = arith.constant 0 : i32
      %dma_start3A_48 = tpu.memref_slice %arg13[%dma_start3A_46, %dma_start3A_47] : memref<1000x8xf32, #tpu.memory_space<vmem>> -> memref<400x8xf32, #tpu.memory_space<vmem>>
      tpu.enqueue_dma source(%dma_start3A_48 : memref<400x8xf32, #tpu.memory_space<vmem>>) target(%dma_start3A_45 : memref<400x8xf32, #tpu.memory_space<vmem_shared>>) target_semaphore(%run_scoped3A : memref<!tpu.dma_semaphore, #tpu.memory_space<semaphore_mem>>)
      %dma_wait3A = arith.constant 0 : i32
      %dma_wait3A_49 = arith.constant 0 : i32
      %dma_wait3A_50 = tpu.memref_slice %arg13[%dma_wait3A, %dma_wait3A_49] : memref<1000x8xf32, #tpu.memory_space<vmem>> -> memref<400x8xf32, #tpu.memory_space<vmem>>
      %dma_wait3A_51 = arith.constant 0 : i32
      %dma_wait3A_52 = tpu.memref_slice %arg19[%add3A_19, %dma_wait3A_51] : memref<102400x8xf32, #tpu.memory_space<vmem_shared>> -> memref<400x8xf32, #tpu.memory_space<vmem_shared>>
      %dma_wait3A_53 = arith.constant 0 : i32
      %dma_wait3A_54 = tpu.memref_slice %arg19[%add3A_19, %dma_wait3A_53] : memref<102400x8xf32, #tpu.memory_space<vmem_shared>> -> memref<400x8xf32, #tpu.memory_space<vmem_shared>>
      %dma_wait3A_55 = arith.constant 0 : i32
      %dma_wait3A_56 = arith.constant 0 : i32
      %dma_wait3A_57 = tpu.memref_slice %arg13[%dma_wait3A_55, %dma_wait3A_56] : memref<1000x8xf32, #tpu.memory_space<vmem>> -> memref<400x8xf32, #tpu.memory_space<vmem>>
      tpu.wait_dma2 semaphore(%run_scoped3A : memref<!tpu.dma_semaphore, #tpu.memory_space<semaphore_mem>>) src(%dma_wait3A_57 : memref<400x8xf32, #tpu.memory_space<vmem>>) dst(%dma_wait3A_54 : memref<400x8xf32, #tpu.memory_space<vmem_shared>>)
      tpu.yield
    }) : () -> ()
    %scan3A_20 = arith.constant 0 : i32
    %scan3A_21 = arith.constant 0 : i32
    %scan3A_22 = arith.constant 8 : i32
    %scan3A_23 = arith.addi %scan3A_21, %scan3A_22 : i32
    %scan3A_24 = arith.constant 1 : i32
    scf.for %scan3A_40 = %scan3A_21 to %scan3A_23 step %scan3A_24  : i32 {
      %mul3A_41 = arith.constant 800 : i32
      %mul3A_42 = arith.muli %scan3A_40, %mul3A_41 : i32
      %add3A_43 = arith.addi %multiple_of3A, %mul3A_42 : i32
      %multiple_of3A_44 = tpu.assume_multiple %add3A_43, 8 : i32
      "tpu.region"() ({
        %run_scoped3A = tpu.sem_alloc : memref<!tpu.dma_semaphore, #tpu.memory_space<semaphore_mem>>
        %dma_start3A = tpu.memref_slice %arg6[%multiple_of3A_44] : memref<102400xf32, #tpu.memory_space<hbm>> -> memref<800xf32, #tpu.memory_space<hbm>>
        %dma_start3A_57 = tpu.memref_slice %arg6[%multiple_of3A_44] : memref<102400xf32, #tpu.memory_space<hbm>> -> memref<800xf32, #tpu.memory_space<hbm>>
        tpu.enqueue_dma source(%dma_start3A_57 : memref<800xf32, #tpu.memory_space<hbm>>) target(%arg14 : memref<800xf32, #tpu.memory_space<vmem>>) target_semaphore(%run_scoped3A : memref<!tpu.dma_semaphore, #tpu.memory_space<semaphore_mem>>)
        %dma_wait3A = tpu.memref_slice %arg6[%multiple_of3A_44] : memref<102400xf32, #tpu.memory_space<hbm>> -> memref<800xf32, #tpu.memory_space<hbm>>
        %dma_wait3A_58 = tpu.memref_slice %arg6[%multiple_of3A_44] : memref<102400xf32, #tpu.memory_space<hbm>> -> memref<800xf32, #tpu.memory_space<hbm>>
        tpu.wait_dma2 semaphore(%run_scoped3A : memref<!tpu.dma_semaphore, #tpu.memory_space<semaphore_mem>>) src(%dma_wait3A_58 : memref<800xf32, #tpu.memory_space<hbm>>) dst(%arg14 : memref<800xf32, #tpu.memory_space<vmem>>)
        tpu.yield
      }) : () -> ()
      "tpu.region"() ({
        %run_scoped3A = tpu.sem_alloc : memref<!tpu.dma_semaphore, #tpu.memory_space<semaphore_mem>>
        %dma_start3A = tpu.memref_slice %arg7[%multiple_of3A_44] : memref<102400xf32, #tpu.memory_space<hbm>> -> memref<800xf32, #tpu.memory_space<hbm>>
        %dma_start3A_57 = tpu.memref_slice %arg7[%multiple_of3A_44] : memref<102400xf32, #tpu.memory_space<hbm>> -> memref<800xf32, #tpu.memory_space<hbm>>
        tpu.enqueue_dma source(%dma_start3A_57 : memref<800xf32, #tpu.memory_space<hbm>>) target(%arg15 : memref<800xf32, #tpu.memory_space<vmem>>) target_semaphore(%run_scoped3A : memref<!tpu.dma_semaphore, #tpu.memory_space<semaphore_mem>>)
        %dma_wait3A = tpu.memref_slice %arg7[%multiple_of3A_44] : memref<102400xf32, #tpu.memory_space<hbm>> -> memref<800xf32, #tpu.memory_space<hbm>>
        %dma_wait3A_58 = tpu.memref_slice %arg7[%multiple_of3A_44] : memref<102400xf32, #tpu.memory_space<hbm>> -> memref<800xf32, #tpu.memory_space<hbm>>
        tpu.wait_dma2 semaphore(%run_scoped3A : memref<!tpu.dma_semaphore, #tpu.memory_space<semaphore_mem>>) src(%dma_wait3A_58 : memref<800xf32, #tpu.memory_space<hbm>>) dst(%arg15 : memref<800xf32, #tpu.memory_space<vmem>>)
        tpu.yield
      }) : () -> ()
      "tpu.region"() ({
        %run_scoped3A = tpu.sem_alloc : memref<!tpu.dma_semaphore, #tpu.memory_space<semaphore_mem>>
        %dma_start3A = arith.constant 0 : i32
        %dma_start3A_57 = tpu.memref_slice %arg5[%multiple_of3A_44, %dma_start3A] : memref<102400x8xf32, #tpu.memory_space<hbm>> -> memref<800x8xf32, #tpu.memory_space<hbm>>
        %dma_start3A_58 = arith.constant 0 : i32
        %dma_start3A_59 = tpu.memref_slice %arg5[%multiple_of3A_44, %dma_start3A_58] : memref<102400x8xf32, #tpu.memory_space<hbm>> -> memref<800x8xf32, #tpu.memory_space<hbm>>
        tpu.enqueue_dma source(%dma_start3A_59 : memref<800x8xf32, #tpu.memory_space<hbm>>) target(%arg17 : memref<800x8xf32, #tpu.memory_space<vmem>>) target_semaphore(%run_scoped3A : memref<!tpu.dma_semaphore, #tpu.memory_space<semaphore_mem>>)
        %dma_wait3A = arith.constant 0 : i32
        %dma_wait3A_60 = tpu.memref_slice %arg5[%multiple_of3A_44, %dma_wait3A] : memref<102400x8xf32, #tpu.memory_space<hbm>> -> memref<800x8xf32, #tpu.memory_space<hbm>>
        %dma_wait3A_61 = arith.constant 0 : i32
        %dma_wait3A_62 = tpu.memref_slice %arg5[%multiple_of3A_44, %dma_wait3A_61] : memref<102400x8xf32, #tpu.memory_space<hbm>> -> memref<800x8xf32, #tpu.memory_space<hbm>>
        tpu.wait_dma2 semaphore(%run_scoped3A : memref<!tpu.dma_semaphore, #tpu.memory_space<semaphore_mem>>) src(%dma_wait3A_62 : memref<800x8xf32, #tpu.memory_space<hbm>>) dst(%arg17 : memref<800x8xf32, #tpu.memory_space<vmem>>)
        tpu.yield
      }) : () -> ()
      %scan3A_45 = arith.constant 0 : i32
      %scan3A_46 = arith.constant 0 : i32
      %scan3A_47 = arith.constant 50 : i32
      %scan3A_48 = arith.addi %scan3A_46, %scan3A_47 : i32
      %scan3A_49 = arith.constant 1 : i32
      scf.for %scan3A_57 = %scan3A_46 to %scan3A_48 step %scan3A_49  : i32 {
        %mul3A_58 = arith.constant 16 : i32
        %mul3A_59 = arith.muli %scan3A_57, %mul3A_58 : i32
        %multiple_of3A_60 = tpu.assume_multiple %mul3A_59, 16 : i32
        %get3A = arith.index_cast %multiple_of3A_60 : i32 to index
        %get3A_61 = tpu.vector_load %arg14[%get3A] {strides = array<i32>} : memref<800xf32, #tpu.memory_space<vmem>>, vector<16xf32>,
        %add3A_62 = arith.constant 1.000000e+00 : f32
        %add3A_63 = vector.broadcast %add3A_62 : f32 to vector<16xf32>
        %add3A_64 = arith.addf %add3A_63, %get3A_61 : vector<16xf32>
        %get3A_65 = arith.index_cast %multiple_of3A_60 : i32 to index
        %get3A_66 = tpu.vector_load %arg15[%get3A_65] {strides = array<i32>} : memref<800xf32, #tpu.memory_space<vmem>>, vector<16xf32>,
        %add3A_67 = arith.addf %add3A_64, %get3A_66 : vector<16xf32>
        %bitcast_convert_type3A = tpu.bitcast %add3A_67 : vector<16xf32> -> vector<16xi32>
        %shift_right_logical3A_68 = arith.constant 1 : i32
        %shift_right_logical3A_69 = vector.broadcast %shift_right_logical3A_68 : i32 to vector<16xi32>
        %shift_right_logical3A_70 = arith.shrui %bitcast_convert_type3A, %shift_right_logical3A_69 : vector<16xi32>
        %sub3A = arith.constant 1597463007 : i32
        %sub3A_71 = vector.broadcast %sub3A : i32 to vector<16xi32>
        %sub3A_72 = arith.subi %sub3A_71, %shift_right_logical3A_70 : vector<16xi32>
        %bitcast_convert_type3A_73 = tpu.bitcast %sub3A_72 : vector<16xi32> -> vector<16xf32>
        %mul3A_74 = arith.constant 5.000000e-01 : f32
        %mul3A_75 = vector.broadcast %mul3A_74 : f32 to vector<16xf32>
        %mul3A_76 = arith.mulf %mul3A_75, %add3A_67 : vector<16xf32>
        %mul3A_77 = arith.mulf %mul3A_76, %bitcast_convert_type3A_73 : vector<16xf32>
        %mul3A_78 = arith.mulf %mul3A_77, %bitcast_convert_type3A_73 : vector<16xf32>
        %sub3A_79 = arith.constant 1.500000e+00 : f32
        %sub3A_80 = vector.broadcast %sub3A_79 : f32 to vector<16xf32>
        %sub3A_81 = arith.subf %sub3A_80, %mul3A_78 : vector<16xf32>
        %mul3A_82 = arith.mulf %bitcast_convert_type3A_73, %sub3A_81 : vector<16xf32>
        %mul3A_83 = arith.constant 5.000000e-01 : f32
        %mul3A_84 = vector.broadcast %mul3A_83 : f32 to vector<16xf32>
        %mul3A_85 = arith.mulf %mul3A_84, %add3A_67 : vector<16xf32>
        %mul3A_86 = arith.mulf %mul3A_85, %mul3A_82 : vector<16xf32>
        %mul3A_87 = arith.mulf %mul3A_86, %mul3A_82 : vector<16xf32>
        %sub3A_88 = arith.constant 1.500000e+00 : f32
        %sub3A_89 = vector.broadcast %sub3A_88 : f32 to vector<16xf32>
        %sub3A_90 = arith.subf %sub3A_89, %mul3A_87 : vector<16xf32>
        %mul3A_91 = arith.mulf %mul3A_82, %sub3A_90 : vector<16xf32>
        %mul3A_92 = arith.constant 5.000000e-01 : f32
        %mul3A_93 = vector.broadcast %mul3A_92 : f32 to vector<16xf32>
        %mul3A_94 = arith.mulf %mul3A_93, %add3A_67 : vector<16xf32>
        %mul3A_95 = arith.mulf %mul3A_94, %mul3A_91 : vector<16xf32>
        %mul3A_96 = arith.mulf %mul3A_95, %mul3A_91 : vector<16xf32>
        %sub3A_97 = arith.constant 1.500000e+00 : f32
        %sub3A_98 = vector.broadcast %sub3A_97 : f32 to vector<16xf32>
        %sub3A_99 = arith.subf %sub3A_98, %mul3A_96 : vector<16xf32>
        %mul3A_100 = arith.mulf %mul3A_91, %sub3A_99 : vector<16xf32>
        %swap3A = arith.index_cast %multiple_of3A_60 : i32 to index
        %swap3A_101 = tpu.vector_load %arg16[%swap3A] {strides = array<i32>} : memref<800xf32, #tpu.memory_space<vmem>>, vector<16xf32>,
        tpu.vector_store %arg16[%swap3A], %mul3A_100 {strides = array<i32>} : memref<800xf32, #tpu.memory_space<vmem>>, vector<16xf32>,
      }
      %scan3A_50 = arith.constant 50 : i32
      %scan3A_51 = arith.constant 0 : i32
      %scan3A_52 = arith.constant 0 : i32
      %scan3A_53 = arith.constant 400 : i32
      %scan3A_54 = arith.addi %scan3A_52, %scan3A_53 : i32
      %scan3A_55 = arith.constant 1 : i32
      scf.for %scan3A_57 = %scan3A_52 to %scan3A_54 step %scan3A_55  : i32 {
        %mul3A_58 = arith.constant 2 : i32
        %mul3A_59 = arith.muli %scan3A_57, %mul3A_58 : i32
        %add3A_60 = vector.broadcast %mul3A_59 : i32 to vector<16xi32>
        %add3A_61 = arith.addi %add3A_60, %shift_right_logical3A_2 : vector<16xi32>
        %gather3A = tpu.vector_load_idx %arg16[%add3A_61] : memref<800xf32, #tpu.memory_space<vmem>>[vector<16xi32>], vector<16xf32>,
        %gather3A_62 = tpu.vector_load_idx %arg17[%add3A_61, %and3A_4] : memref<800x8xf32, #tpu.memory_space<vmem>>[vector<16xi32>, vector<16xi32>], vector<16xf32>,
        %mul3A_63 = arith.mulf %gather3A_62, %gather3A : vector<16xf32>
        tpu.vector_store_idx %arg17[%add3A_61, %and3A_4], %mul3A_63 : memref<800x8xf32, #tpu.memory_space<vmem>>[vector<16xi32>, vector<16xi32>], vector<16xf32>,
      }
      %scan3A_56 = arith.constant 400 : i32
      "tpu.region"() ({
        %run_scoped3A = tpu.sem_alloc : memref<!tpu.dma_semaphore, #tpu.memory_space<semaphore_mem>>
        %dma_start3A = arith.constant 0 : i32
        %dma_start3A_57 = tpu.memref_slice %arg18[%multiple_of3A_44, %dma_start3A] : memref<102400x8xf32, #tpu.memory_space<vmem_shared>> -> memref<800x8xf32, #tpu.memory_space<vmem_shared>>
        %dma_start3A_58 = arith.constant 0 : i32
        %dma_start3A_59 = tpu.memref_slice %arg18[%multiple_of3A_44, %dma_start3A_58] : memref<102400x8xf32, #tpu.memory_space<vmem_shared>> -> memref<800x8xf32, #tpu.memory_space<vmem_shared>>
        tpu.enqueue_dma source(%arg17 : memref<800x8xf32, #tpu.memory_space<vmem>>) target(%dma_start3A_59 : memref<800x8xf32, #tpu.memory_space<vmem_shared>>) target_semaphore(%run_scoped3A : memref<!tpu.dma_semaphore, #tpu.memory_space<semaphore_mem>>)
        %dma_wait3A = arith.constant 0 : i32
        %dma_wait3A_60 = tpu.memref_slice %arg18[%multiple_of3A_44, %dma_wait3A] : memref<102400x8xf32, #tpu.memory_space<vmem_shared>> -> memref<800x8xf32, #tpu.memory_space<vmem_shared>>
        %dma_wait3A_61 = arith.constant 0 : i32
        %dma_wait3A_62 = tpu.memref_slice %arg18[%multiple_of3A_44, %dma_wait3A_61] : memref<102400x8xf32, #tpu.memory_space<vmem_shared>> -> memref<800x8xf32, #tpu.memory_space<vmem_shared>>
        tpu.wait_dma2 semaphore(%run_scoped3A : memref<!tpu.dma_semaphore, #tpu.memory_space<semaphore_mem>>) src(%arg17 : memref<800x8xf32, #tpu.memory_space<vmem>>) dst(%dma_wait3A_62 : memref<800x8xf32, #tpu.memory_space<vmem_shared>>)
        tpu.yield
      }) : () -> ()
    }
    %scan3A_25 = arith.constant 8 : i32
    %barrier3A = arith.constant 0 : index
    tpu.barrier barrier_id(%barrier3A)
    %scan3A_26 = arith.constant 0 : i32
    %scan3A_27 = arith.constant 0 : i32
    %scan3A_28 = arith.constant 50 : i32
    %scan3A_29 = arith.addi %scan3A_27, %scan3A_28 : i32
    %scan3A_30 = arith.constant 1 : i32
    scf.for %scan3A_40 = %scan3A_27 to %scan3A_29 step %scan3A_30  : i32 {
      %mul3A_41 = arith.constant 50000 : i32
      %mul3A_42 = arith.muli %add3A, %mul3A_41 : i32
      %mul3A_43 = arith.constant 1000 : i32
      %mul3A_44 = arith.muli %scan3A_40, %mul3A_43 : i32
      %add3A_45 = arith.addi %mul3A_42, %mul3A_44 : i32
      %multiple_of3A_46 = tpu.assume_multiple %add3A_45, 8 : i32
      "tpu.region"() ({
        %run_scoped3A = tpu.sem_alloc : memref<!tpu.dma_semaphore, #tpu.memory_space<semaphore_mem>>
        %dma_start3A_57 = tpu.memref_slice %arg2[%multiple_of3A_46] : memref<1600000xi32, #tpu.memory_space<hbm>> -> memref<1000xi32, #tpu.memory_space<hbm>>
        %dma_start3A_58 = tpu.memref_slice %arg2[%multiple_of3A_46] : memref<1600000xi32, #tpu.memory_space<hbm>> -> memref<1000xi32, #tpu.memory_space<hbm>>
        tpu.enqueue_dma source(%dma_start3A_58 : memref<1000xi32, #tpu.memory_space<hbm>>) target(%arg10 : memref<1000xi32, #tpu.memory_space<vmem>>) target_semaphore(%run_scoped3A : memref<!tpu.dma_semaphore, #tpu.memory_space<semaphore_mem>>)
        %dma_wait3A_59 = tpu.memref_slice %arg2[%multiple_of3A_46] : memref<1600000xi32, #tpu.memory_space<hbm>> -> memref<1000xi32, #tpu.memory_space<hbm>>
        %dma_wait3A_60 = tpu.memref_slice %arg2[%multiple_of3A_46] : memref<1600000xi32, #tpu.memory_space<hbm>> -> memref<1000xi32, #tpu.memory_space<hbm>>
        tpu.wait_dma2 semaphore(%run_scoped3A : memref<!tpu.dma_semaphore, #tpu.memory_space<semaphore_mem>>) src(%dma_wait3A_60 : memref<1000xi32, #tpu.memory_space<hbm>>) dst(%arg10 : memref<1000xi32, #tpu.memory_space<vmem>>)
        tpu.yield
      }) : () -> ()
      "tpu.region"() ({
        %run_scoped3A = tpu.sem_alloc : memref<!tpu.dma_semaphore, #tpu.memory_space<semaphore_mem>>
        %dma_start3A_57 = tpu.memref_slice %arg3[%multiple_of3A_46] : memref<1600000xi32, #tpu.memory_space<hbm>> -> memref<1000xi32, #tpu.memory_space<hbm>>
        %dma_start3A_58 = tpu.memref_slice %arg3[%multiple_of3A_46] : memref<1600000xi32, #tpu.memory_space<hbm>> -> memref<1000xi32, #tpu.memory_space<hbm>>
        tpu.enqueue_dma source(%dma_start3A_58 : memref<1000xi32, #tpu.memory_space<hbm>>) target(%arg11 : memref<1000xi32, #tpu.memory_space<vmem>>) target_semaphore(%run_scoped3A : memref<!tpu.dma_semaphore, #tpu.memory_space<semaphore_mem>>)
        %dma_wait3A_59 = tpu.memref_slice %arg3[%multiple_of3A_46] : memref<1600000xi32, #tpu.memory_space<hbm>> -> memref<1000xi32, #tpu.memory_space<hbm>>
        %dma_wait3A_60 = tpu.memref_slice %arg3[%multiple_of3A_46] : memref<1600000xi32, #tpu.memory_space<hbm>> -> memref<1000xi32, #tpu.memory_space<hbm>>
        tpu.wait_dma2 semaphore(%run_scoped3A : memref<!tpu.dma_semaphore, #tpu.memory_space<semaphore_mem>>) src(%dma_wait3A_60 : memref<1000xi32, #tpu.memory_space<hbm>>) dst(%arg11 : memref<1000xi32, #tpu.memory_space<vmem>>)
        tpu.yield
      }) : () -> ()
      "tpu.region"() ({
        %run_scoped3A = tpu.sem_alloc : memref<!tpu.dma_semaphore, #tpu.memory_space<semaphore_mem>>
        %dma_start3A_57 = tpu.memref_slice %arg4[%multiple_of3A_46] : memref<1600000xf32, #tpu.memory_space<hbm>> -> memref<1000xf32, #tpu.memory_space<hbm>>
        %dma_start3A_58 = tpu.memref_slice %arg4[%multiple_of3A_46] : memref<1600000xf32, #tpu.memory_space<hbm>> -> memref<1000xf32, #tpu.memory_space<hbm>>
        tpu.enqueue_dma source(%dma_start3A_58 : memref<1000xf32, #tpu.memory_space<hbm>>) target(%arg12 : memref<1000xf32, #tpu.memory_space<vmem>>) target_semaphore(%run_scoped3A : memref<!tpu.dma_semaphore, #tpu.memory_space<semaphore_mem>>)
        %dma_wait3A_59 = tpu.memref_slice %arg4[%multiple_of3A_46] : memref<1600000xf32, #tpu.memory_space<hbm>> -> memref<1000xf32, #tpu.memory_space<hbm>>
        %dma_wait3A_60 = tpu.memref_slice %arg4[%multiple_of3A_46] : memref<1600000xf32, #tpu.memory_space<hbm>> -> memref<1000xf32, #tpu.memory_space<hbm>>
        tpu.wait_dma2 semaphore(%run_scoped3A : memref<!tpu.dma_semaphore, #tpu.memory_space<semaphore_mem>>) src(%dma_wait3A_60 : memref<1000xf32, #tpu.memory_space<hbm>>) dst(%arg12 : memref<1000xf32, #tpu.memory_space<vmem>>)
        tpu.yield
      }) : () -> ()
      %dma_start3A = arith.constant 0 : i32
      %dma_start3A_47 = arith.constant 0 : i32
      %dma_start3A_48 = tpu.memref_slice %arg18[%dma_start3A, %dma_start3A_47] : memref<102400x8xf32, #tpu.memory_space<vmem_shared>> -> memref<102400x8xf32, #tpu.memory_space<vmem_shared>>
      tpu.enqueue_indirect_dma source(%dma_start3A_48 : memref<102400x8xf32, #tpu.memory_space<vmem_shared>>) target(%arg13 : memref<1000x8xf32, #tpu.memory_space<vmem>>) offsets(%arg10 : memref<1000xi32, #tpu.memory_space<vmem>>) semaphore(%arg20 : memref<!tpu.dma_semaphore, #tpu.memory_space<semaphore_mem>>)
      %dma_wait3A = arith.constant 0 : i32
      %dma_wait3A_49 = arith.constant 0 : i32
      %dma_wait3A_50 = tpu.memref_slice %arg18[%dma_wait3A, %dma_wait3A_49] : memref<102400x8xf32, #tpu.memory_space<vmem_shared>> -> memref<102400x8xf32, #tpu.memory_space<vmem_shared>>
      tpu.wait_indirect_dma semaphore(%arg20 : memref<!tpu.dma_semaphore, #tpu.memory_space<semaphore_mem>>) src(%dma_wait3A_50 : memref<102400x8xf32, #tpu.memory_space<vmem_shared>>) dst(%arg13 : memref<1000x8xf32, #tpu.memory_space<vmem>>)
      %scan3A_51 = arith.constant 0 : i32
      %scan3A_52 = arith.constant 0 : i32
      %scan3A_53 = arith.constant 500 : i32
      %scan3A_54 = arith.addi %scan3A_52, %scan3A_53 : i32
      %scan3A_55 = arith.constant 1 : i32
      scf.for %scan3A_57 = %scan3A_52 to %scan3A_54 step %scan3A_55  : i32 {
        %mul3A_58 = arith.constant 2 : i32
        %mul3A_59 = arith.muli %scan3A_57, %mul3A_58 : i32
        %add3A_60 = vector.broadcast %mul3A_59 : i32 to vector<16xi32>
        %add3A_61 = arith.addi %add3A_60, %shift_right_logical3A_2 : vector<16xi32>
        %gather3A = tpu.vector_load_idx %arg12[%add3A_61] : memref<1000xf32, #tpu.memory_space<vmem>>[vector<16xi32>], vector<16xf32>,
        %gather3A_62 = tpu.vector_load_idx %arg13[%add3A_61, %and3A_4] : memref<1000x8xf32, #tpu.memory_space<vmem>>[vector<16xi32>, vector<16xi32>], vector<16xf32>,
        %mul3A_63 = arith.mulf %gather3A_62, %gather3A : vector<16xf32>
        tpu.vector_store_idx %arg13[%add3A_61, %and3A_4], %mul3A_63 : memref<1000x8xf32, #tpu.memory_space<vmem>>[vector<16xi32>, vector<16xi32>], vector<16xf32>,
      }
      %scan3A_56 = arith.constant 500 : i32
      "tpu.region"() ({
        %run_scoped3A = tpu.sem_alloc : memref<!tpu.dma_semaphore, #tpu.memory_space<semaphore_mem>>
        %dma_start3A_57 = arith.constant 0 : i32
        %dma_start3A_58 = arith.constant 0 : i32
        %dma_start3A_59 = tpu.memref_slice %arg19[%dma_start3A_57, %dma_start3A_58] : memref<102400x8xf32, #tpu.memory_space<vmem_shared>> -> memref<102400x8xf32, #tpu.memory_space<vmem_shared>>
        tpu.enqueue_indirect_dma source(%arg13 : memref<1000x8xf32, #tpu.memory_space<vmem>>) target(%dma_start3A_59 : memref<102400x8xf32, #tpu.memory_space<vmem_shared>>) offsets(%arg11 : memref<1000xi32, #tpu.memory_space<vmem>>) semaphore(%run_scoped3A : memref<!tpu.dma_semaphore, #tpu.memory_space<semaphore_mem>>) {add = true}
        %dma_wait3A_60 = arith.constant 0 : i32
        %dma_wait3A_61 = arith.constant 0 : i32
        %dma_wait3A_62 = tpu.memref_slice %arg19[%dma_wait3A_60, %dma_wait3A_61] : memref<102400x8xf32, #tpu.memory_space<vmem_shared>> -> memref<102400x8xf32, #tpu.memory_space<vmem_shared>>
        tpu.wait_indirect_dma semaphore(%run_scoped3A : memref<!tpu.dma_semaphore, #tpu.memory_space<semaphore_mem>>) src(%arg13 : memref<1000x8xf32, #tpu.memory_space<vmem>>) dst(%dma_wait3A_62 : memref<102400x8xf32, #tpu.memory_space<vmem_shared>>)
        tpu.yield
      }) : () -> ()
    }
    %scan3A_31 = arith.constant 50 : i32
    %barrier3A_32 = arith.constant 0 : index
    tpu.barrier barrier_id(%barrier3A_32)
    %eq3A = arith.constant 0 : i32
    %eq3A_33 = arith.cmpi eq, %arg0, %eq3A : i32
    %convert_element_type3A = arith.extui %eq3A_33 : i1 to i32
    %cond3A = arith.constant 0 : i32
    %cond3A_34 = arith.cmpi ne, %convert_element_type3A, %cond3A : i32
    scf.if %cond3A_34 {
      "tpu.region"() ({
        %run_scoped3A = tpu.sem_alloc : memref<!tpu.dma_semaphore, #tpu.memory_space<semaphore_mem>>
        %dma_start3A = arith.constant 0 : i32
        %dma_start3A_40 = tpu.memref_slice %arg8[%multiple_of3A, %dma_start3A] : memref<102400x8xf32, #tpu.memory_space<hbm>> -> memref<6400x8xf32, #tpu.memory_space<hbm>>
        %dma_start3A_41 = arith.constant 0 : i32
        %dma_start3A_42 = tpu.memref_slice %arg19[%multiple_of3A, %dma_start3A_41] : memref<102400x8xf32, #tpu.memory_space<vmem_shared>> -> memref<6400x8xf32, #tpu.memory_space<vmem_shared>>
        tpu.enqueue_dma source(%dma_start3A_42 : memref<6400x8xf32, #tpu.memory_space<vmem_shared>>) target(%dma_start3A_40 : memref<6400x8xf32, #tpu.memory_space<hbm>>) target_semaphore(%run_scoped3A : memref<!tpu.dma_semaphore, #tpu.memory_space<semaphore_mem>>)
        %dma_wait3A = arith.constant 0 : i32
        %dma_wait3A_43 = tpu.memref_slice %arg8[%multiple_of3A, %dma_wait3A] : memref<102400x8xf32, #tpu.memory_space<hbm>> -> memref<6400x8xf32, #tpu.memory_space<hbm>>
        %dma_wait3A_44 = arith.constant 0 : i32
        %dma_wait3A_45 = tpu.memref_slice %arg19[%multiple_of3A, %dma_wait3A_44] : memref<102400x8xf32, #tpu.memory_space<vmem_shared>> -> memref<6400x8xf32, #tpu.memory_space<vmem_shared>>
        tpu.wait_dma2 semaphore(%run_scoped3A : memref<!tpu.dma_semaphore, #tpu.memory_space<semaphore_mem>>) src(%dma_wait3A_45 : memref<6400x8xf32, #tpu.memory_space<vmem_shared>>) dst(%dma_wait3A_43 : memref<6400x8xf32, #tpu.memory_space<hbm>>)
        tpu.yield
      }) : () -> ()
    } else {
    }
    %eq3A_35 = arith.constant 1 : i32
    %eq3A_36 = arith.cmpi eq, %arg0, %eq3A_35 : i32
    %convert_element_type3A_37 = arith.extui %eq3A_36 : i1 to i32
    %cond3A_38 = arith.constant 0 : i32
    %cond3A_39 = arith.cmpi ne, %convert_element_type3A_37, %cond3A_38 : i32
    scf.if %cond3A_39 {
      "tpu.region"() ({
        %run_scoped3A = tpu.sem_alloc : memref<!tpu.dma_semaphore, #tpu.memory_space<semaphore_mem>>
        %dma_start3A = arith.constant 0 : i32
        %dma_start3A_40 = tpu.memref_slice %arg9[%multiple_of3A, %dma_start3A] : memref<102400x8xf32, #tpu.memory_space<hbm>> -> memref<6400x8xf32, #tpu.memory_space<hbm>>
        %dma_start3A_41 = arith.constant 0 : i32
        %dma_start3A_42 = tpu.memref_slice %arg19[%multiple_of3A, %dma_start3A_41] : memref<102400x8xf32, #tpu.memory_space<vmem_shared>> -> memref<6400x8xf32, #tpu.memory_space<vmem_shared>>
        tpu.enqueue_dma source(%dma_start3A_42 : memref<6400x8xf32, #tpu.memory_space<vmem_shared>>) target(%dma_start3A_40 : memref<6400x8xf32, #tpu.memory_space<hbm>>) target_semaphore(%run_scoped3A : memref<!tpu.dma_semaphore, #tpu.memory_space<semaphore_mem>>)
        %dma_wait3A = arith.constant 0 : i32
        %dma_wait3A_43 = tpu.memref_slice %arg9[%multiple_of3A, %dma_wait3A] : memref<102400x8xf32, #tpu.memory_space<hbm>> -> memref<6400x8xf32, #tpu.memory_space<hbm>>
        %dma_wait3A_44 = arith.constant 0 : i32
        %dma_wait3A_45 = tpu.memref_slice %arg19[%multiple_of3A, %dma_wait3A_44] : memref<102400x8xf32, #tpu.memory_space<vmem_shared>> -> memref<6400x8xf32, #tpu.memory_space<vmem_shared>>
        tpu.wait_dma2 semaphore(%run_scoped3A : memref<!tpu.dma_semaphore, #tpu.memory_space<semaphore_mem>>) src(%dma_wait3A_45 : memref<6400x8xf32, #tpu.memory_space<vmem_shared>>) dst(%dma_wait3A_43 : memref<6400x8xf32, #tpu.memory_space<hbm>>)
        tpu.yield
      }) : () -> ()
    } else {
    }
    return
  }
}

#map = affine_map<(d0, d1) -> (0)>
module attributes {stable_mosaic.version = 14 : i64} {
  func.func @deg_kernel(%arg0: i32, %arg1: i32, %arg2: memref<1600000xi32, #tpu.memory_space<hbm>>, %arg3: memref<1600000xf32, #tpu.memory_space<hbm>>, %arg4: memref<102400xf32, #tpu.memory_space<hbm>>, %arg5: memref<102400xf32, #tpu.memory_space<hbm>>, %arg6: memref<5000xi32, #tpu.memory_space<vmem>>, %arg7: memref<5000xf32, #tpu.memory_space<vmem>>, %arg8: memref<6400xf32, #tpu.memory_space<vmem>>, %arg9: memref<102400xf32, #tpu.memory_space<vmem_shared>>) attributes {dimension_semantics = [#tpu.dimension_semantics<core_parallel>, #tpu.dimension_semantics<subcore_parallel>], iteration_bounds = array<i64: 2, 16>, scalar_prefetch = 0 : i64, scratch_operands = 4 : i64, tpu.core_type = #tpu.core_type<sc_vector_subcore>, window_params = [{transform_indices = #map}, {transform_indices = #map}, {transform_indices = #map}, {transform_indices = #map}]} {
    %mul3A = arith.constant 16 : i32
    %mul3A_0 = arith.muli %arg0, %mul3A : i32
    %add3A = arith.addi %mul3A_0, %arg1 : i32
    %scan3A = arith.constant 0 : i32
    %scan3A_1 = arith.constant 0 : i32
    %scan3A_2 = arith.constant 400 : i32
    %scan3A_3 = arith.addi %scan3A_1, %scan3A_2 : i32
    %scan3A_4 = arith.constant 1 : i32
    scf.for %scan3A_22 = %scan3A_1 to %scan3A_3 step %scan3A_4  : i32 {
      %broadcast_in_dim3A = arith.constant 0.000000e+00 : f32
      %broadcast_in_dim3A_23 = vector.broadcast %broadcast_in_dim3A : f32 to vector<16xf32>
      %mul3A_24 = arith.constant 16 : i32
      %mul3A_25 = arith.muli %scan3A_22, %mul3A_24 : i32
      %multiple_of3A_26 = tpu.assume_multiple %mul3A_25, 16 : i32
      %swap3A = arith.index_cast %multiple_of3A_26 : i32 to index
      %swap3A_27 = tpu.vector_load %arg8[%swap3A] {strides = array<i32>} : memref<6400xf32, #tpu.memory_space<vmem>>, vector<16xf32>,
      tpu.vector_store %arg8[%swap3A], %broadcast_in_dim3A_23 {strides = array<i32>} : memref<6400xf32, #tpu.memory_space<vmem>>, vector<16xf32>,
    }
    %scan3A_5 = arith.constant 400 : i32
    %mul3A_6 = arith.constant 6400 : i32
    %mul3A_7 = arith.muli %arg1, %mul3A_6 : i32
    %multiple_of3A = tpu.assume_multiple %mul3A_7, 8 : i32
    "tpu.region"() ({
      %run_scoped3A = tpu.sem_alloc : memref<!tpu.dma_semaphore, #tpu.memory_space<semaphore_mem>>
      %dma_start3A = tpu.memref_slice %arg9[%multiple_of3A] : memref<102400xf32, #tpu.memory_space<vmem_shared>> -> memref<6400xf32, #tpu.memory_space<vmem_shared>>
      %dma_start3A_22 = tpu.memref_slice %arg9[%multiple_of3A] : memref<102400xf32, #tpu.memory_space<vmem_shared>> -> memref<6400xf32, #tpu.memory_space<vmem_shared>>
      tpu.enqueue_dma source(%arg8 : memref<6400xf32, #tpu.memory_space<vmem>>) target(%dma_start3A_22 : memref<6400xf32, #tpu.memory_space<vmem_shared>>) target_semaphore(%run_scoped3A : memref<!tpu.dma_semaphore, #tpu.memory_space<semaphore_mem>>)
      %dma_wait3A = tpu.memref_slice %arg9[%multiple_of3A] : memref<102400xf32, #tpu.memory_space<vmem_shared>> -> memref<6400xf32, #tpu.memory_space<vmem_shared>>
      %dma_wait3A_23 = tpu.memref_slice %arg9[%multiple_of3A] : memref<102400xf32, #tpu.memory_space<vmem_shared>> -> memref<6400xf32, #tpu.memory_space<vmem_shared>>
      tpu.wait_dma2 semaphore(%run_scoped3A : memref<!tpu.dma_semaphore, #tpu.memory_space<semaphore_mem>>) src(%arg8 : memref<6400xf32, #tpu.memory_space<vmem>>) dst(%dma_wait3A_23 : memref<6400xf32, #tpu.memory_space<vmem_shared>>)
      tpu.yield
    }) : () -> ()
    %barrier3A = arith.constant 0 : index
    tpu.barrier barrier_id(%barrier3A)
    %scan3A_8 = arith.constant 0 : i32
    %scan3A_9 = arith.constant 0 : i32
    %scan3A_10 = arith.constant 10 : i32
    %scan3A_11 = arith.addi %scan3A_9, %scan3A_10 : i32
    %scan3A_12 = arith.constant 1 : i32
    scf.for %scan3A_22 = %scan3A_9 to %scan3A_11 step %scan3A_12  : i32 {
      %mul3A_23 = arith.constant 50000 : i32
      %mul3A_24 = arith.muli %add3A, %mul3A_23 : i32
      %mul3A_25 = arith.constant 5000 : i32
      %mul3A_26 = arith.muli %scan3A_22, %mul3A_25 : i32
      %add3A_27 = arith.addi %mul3A_24, %mul3A_26 : i32
      %multiple_of3A_28 = tpu.assume_multiple %add3A_27, 8 : i32
      "tpu.region"() ({
        %run_scoped3A = tpu.sem_alloc : memref<!tpu.dma_semaphore, #tpu.memory_space<semaphore_mem>>
        %dma_start3A = tpu.memref_slice %arg2[%multiple_of3A_28] : memref<1600000xi32, #tpu.memory_space<hbm>> -> memref<5000xi32, #tpu.memory_space<hbm>>
        %dma_start3A_29 = tpu.memref_slice %arg2[%multiple_of3A_28] : memref<1600000xi32, #tpu.memory_space<hbm>> -> memref<5000xi32, #tpu.memory_space<hbm>>
        tpu.enqueue_dma source(%dma_start3A_29 : memref<5000xi32, #tpu.memory_space<hbm>>) target(%arg6 : memref<5000xi32, #tpu.memory_space<vmem>>) target_semaphore(%run_scoped3A : memref<!tpu.dma_semaphore, #tpu.memory_space<semaphore_mem>>)
        %dma_wait3A = tpu.memref_slice %arg2[%multiple_of3A_28] : memref<1600000xi32, #tpu.memory_space<hbm>> -> memref<5000xi32, #tpu.memory_space<hbm>>
        %dma_wait3A_30 = tpu.memref_slice %arg2[%multiple_of3A_28] : memref<1600000xi32, #tpu.memory_space<hbm>> -> memref<5000xi32, #tpu.memory_space<hbm>>
        tpu.wait_dma2 semaphore(%run_scoped3A : memref<!tpu.dma_semaphore, #tpu.memory_space<semaphore_mem>>) src(%dma_wait3A_30 : memref<5000xi32, #tpu.memory_space<hbm>>) dst(%arg6 : memref<5000xi32, #tpu.memory_space<vmem>>)
        tpu.yield
      }) : () -> ()
      "tpu.region"() ({
        %run_scoped3A = tpu.sem_alloc : memref<!tpu.dma_semaphore, #tpu.memory_space<semaphore_mem>>
        %dma_start3A = tpu.memref_slice %arg3[%multiple_of3A_28] : memref<1600000xf32, #tpu.memory_space<hbm>> -> memref<5000xf32, #tpu.memory_space<hbm>>
        %dma_start3A_29 = tpu.memref_slice %arg3[%multiple_of3A_28] : memref<1600000xf32, #tpu.memory_space<hbm>> -> memref<5000xf32, #tpu.memory_space<hbm>>
        tpu.enqueue_dma source(%dma_start3A_29 : memref<5000xf32, #tpu.memory_space<hbm>>) target(%arg7 : memref<5000xf32, #tpu.memory_space<vmem>>) target_semaphore(%run_scoped3A : memref<!tpu.dma_semaphore, #tpu.memory_space<semaphore_mem>>)
        %dma_wait3A = tpu.memref_slice %arg3[%multiple_of3A_28] : memref<1600000xf32, #tpu.memory_space<hbm>> -> memref<5000xf32, #tpu.memory_space<hbm>>
        %dma_wait3A_30 = tpu.memref_slice %arg3[%multiple_of3A_28] : memref<1600000xf32, #tpu.memory_space<hbm>> -> memref<5000xf32, #tpu.memory_space<hbm>>
        tpu.wait_dma2 semaphore(%run_scoped3A : memref<!tpu.dma_semaphore, #tpu.memory_space<semaphore_mem>>) src(%dma_wait3A_30 : memref<5000xf32, #tpu.memory_space<hbm>>) dst(%arg7 : memref<5000xf32, #tpu.memory_space<vmem>>)
        tpu.yield
      }) : () -> ()
      "tpu.region"() ({
        %run_scoped3A = tpu.sem_alloc : memref<!tpu.dma_semaphore, #tpu.memory_space<semaphore_mem>>
        %dma_start3A = arith.constant 0 : i32
        %dma_start3A_29 = tpu.memref_slice %arg9[%dma_start3A] : memref<102400xf32, #tpu.memory_space<vmem_shared>> -> memref<102400xf32, #tpu.memory_space<vmem_shared>>
        tpu.enqueue_indirect_dma source(%arg7 : memref<5000xf32, #tpu.memory_space<vmem>>) target(%dma_start3A_29 : memref<102400xf32, #tpu.memory_space<vmem_shared>>) offsets(%arg6 : memref<5000xi32, #tpu.memory_space<vmem>>) semaphore(%run_scoped3A : memref<!tpu.dma_semaphore, #tpu.memory_space<semaphore_mem>>) {add = true}
        %dma_wait3A = arith.constant 0 : i32
        %dma_wait3A_30 = tpu.memref_slice %arg9[%dma_wait3A] : memref<102400xf32, #tpu.memory_space<vmem_shared>> -> memref<102400xf32, #tpu.memory_space<vmem_shared>>
        tpu.wait_indirect_dma semaphore(%run_scoped3A : memref<!tpu.dma_semaphore, #tpu.memory_space<semaphore_mem>>) src(%arg7 : memref<5000xf32, #tpu.memory_space<vmem>>) dst(%dma_wait3A_30 : memref<102400xf32, #tpu.memory_space<vmem_shared>>)
        tpu.yield
      }) : () -> ()
    }
    %scan3A_13 = arith.constant 10 : i32
    %barrier3A_14 = arith.constant 0 : index
    tpu.barrier barrier_id(%barrier3A_14)
    %eq3A = arith.constant 0 : i32
    %eq3A_15 = arith.cmpi eq, %arg0, %eq3A : i32
    %convert_element_type3A = arith.extui %eq3A_15 : i1 to i32
    %cond3A = arith.constant 0 : i32
    %cond3A_16 = arith.cmpi ne, %convert_element_type3A, %cond3A : i32
    scf.if %cond3A_16 {
      "tpu.region"() ({
        %run_scoped3A = tpu.sem_alloc : memref<!tpu.dma_semaphore, #tpu.memory_space<semaphore_mem>>
        %dma_start3A = tpu.memref_slice %arg4[%multiple_of3A] : memref<102400xf32, #tpu.memory_space<hbm>> -> memref<6400xf32, #tpu.memory_space<hbm>>
        %dma_start3A_22 = tpu.memref_slice %arg9[%multiple_of3A] : memref<102400xf32, #tpu.memory_space<vmem_shared>> -> memref<6400xf32, #tpu.memory_space<vmem_shared>>
        tpu.enqueue_dma source(%dma_start3A_22 : memref<6400xf32, #tpu.memory_space<vmem_shared>>) target(%dma_start3A : memref<6400xf32, #tpu.memory_space<hbm>>) target_semaphore(%run_scoped3A : memref<!tpu.dma_semaphore, #tpu.memory_space<semaphore_mem>>)
        %dma_wait3A = tpu.memref_slice %arg4[%multiple_of3A] : memref<102400xf32, #tpu.memory_space<hbm>> -> memref<6400xf32, #tpu.memory_space<hbm>>
        %dma_wait3A_23 = tpu.memref_slice %arg9[%multiple_of3A] : memref<102400xf32, #tpu.memory_space<vmem_shared>> -> memref<6400xf32, #tpu.memory_space<vmem_shared>>
        tpu.wait_dma2 semaphore(%run_scoped3A : memref<!tpu.dma_semaphore, #tpu.memory_space<semaphore_mem>>) src(%dma_wait3A_23 : memref<6400xf32, #tpu.memory_space<vmem_shared>>) dst(%dma_wait3A : memref<6400xf32, #tpu.memory_space<hbm>>)
        tpu.yield
      }) : () -> ()
    } else {
    }
    %eq3A_17 = arith.constant 1 : i32
    %eq3A_18 = arith.cmpi eq, %arg0, %eq3A_17 : i32
    %convert_element_type3A_19 = arith.extui %eq3A_18 : i1 to i32
    %cond3A_20 = arith.constant 0 : i32
    %cond3A_21 = arith.cmpi ne, %convert_element_type3A_19, %cond3A_20 : i32
    scf.if %cond3A_21 {
      "tpu.region"() ({
        %run_scoped3A = tpu.sem_alloc : memref<!tpu.dma_semaphore, #tpu.memory_space<semaphore_mem>>
        %dma_start3A = tpu.memref_slice %arg5[%multiple_of3A] : memref<102400xf32, #tpu.memory_space<hbm>> -> memref<6400xf32, #tpu.memory_space<hbm>>
        %dma_start3A_22 = tpu.memref_slice %arg9[%multiple_of3A] : memref<102400xf32, #tpu.memory_space<vmem_shared>> -> memref<6400xf32, #tpu.memory_space<vmem_shared>>
        tpu.enqueue_dma source(%dma_start3A_22 : memref<6400xf32, #tpu.memory_space<vmem_shared>>) target(%dma_start3A : memref<6400xf32, #tpu.memory_space<hbm>>) target_semaphore(%run_scoped3A : memref<!tpu.dma_semaphore, #tpu.memory_space<semaphore_mem>>)
        %dma_wait3A = tpu.memref_slice %arg5[%multiple_of3A] : memref<102400xf32, #tpu.memory_space<hbm>> -> memref<6400xf32, #tpu.memory_space<hbm>>
        %dma_wait3A_23 = tpu.memref_slice %arg9[%multiple_of3A] : memref<102400xf32, #tpu.memory_space<vmem_shared>> -> memref<6400xf32, #tpu.memory_space<vmem_shared>>
        tpu.wait_dma2 semaphore(%run_scoped3A : memref<!tpu.dma_semaphore, #tpu.memory_space<semaphore_mem>>) src(%dma_wait3A_23 : memref<6400xf32, #tpu.memory_space<vmem_shared>>) dst(%dma_wait3A : memref<6400xf32, #tpu.memory_space<hbm>>)
        tpu.yield
      }) : () -> ()
    } else {
    }
    return
  }
}

module attributes {stable_mosaic.version = 14 : i64} {
  func.func @_tc_body(%arg0: i32, %arg1: memref<2000x1xf32, #tpu.memory_space<vmem>>, %arg2: memref<2000x1xf32, #tpu.memory_space<vmem>>, %arg3: memref<2000x8xf32, #tpu.memory_space<vmem>>, %arg4: memref<2000x8xf32, #tpu.memory_space<vmem>>, %arg5: memref<2000x8xf32, #tpu.memory_space<vmem>>, %arg6: memref<2000x32xf32, #tpu.memory_space<vmem>>, %arg7: memref<8x32xf32, #tpu.memory_space<vmem>>, %arg8: memref<32x32xf32, #tpu.memory_space<vmem>>, %arg9: memref<1x32xf32, #tpu.memory_space<vmem>>, %arg10: memref<8x32xf32, #tpu.memory_space<vmem>>, %arg11: memref<32x32xf32, #tpu.memory_space<vmem>>, %arg12: memref<1x32xf32, #tpu.memory_space<vmem>>, %arg13: memref<8x32xf32, #tpu.memory_space<vmem>>, %arg14: memref<32x32xf32, #tpu.memory_space<vmem>>, %arg15: memref<1x32xf32, #tpu.memory_space<vmem>>, %arg16: memref<1x32xf32, #tpu.memory_space<vmem>>, %arg17: memref<1x1xf32, #tpu.memory_space<vmem>>, %arg18: memref<2000x1xf32, #tpu.memory_space<vmem>>, %arg19: memref<2000x32xf32, #tpu.memory_space<vmem>>) attributes {dimension_semantics = [#tpu.dimension_semantics<arbitrary>], iteration_bounds = array<i64: 50>, scalar_prefetch = 0 : i64, scratch_operands = 0 : i64, tpu.core_type = #tpu.core_type<tc>, window_params = [{transform_indices = @transform_0, window_bounds = array<i64: 2000, 1>}, {transform_indices = @transform_1, window_bounds = array<i64: 2000, 1>}, {transform_indices = @transform_2, window_bounds = array<i64: 2000, 8>}, {transform_indices = @transform_3, window_bounds = array<i64: 2000, 8>}, {transform_indices = @transform_4, window_bounds = array<i64: 2000, 8>}, {transform_indices = @transform_5, window_bounds = array<i64: 2000, 32>}, {pipeline_mode = #tpu.pipeline_mode<synchronous>, transform_indices = @transform_6, window_bounds = array<i64: 8, 32>}, {pipeline_mode = #tpu.pipeline_mode<synchronous>, transform_indices = @transform_7, window_bounds = array<i64: 32, 32>}, {pipeline_mode = #tpu.pipeline_mode<synchronous>, transform_indices = @transform_8, window_bounds = array<i64: 1, 32>}, {pipeline_mode = #tpu.pipeline_mode<synchronous>, transform_indices = @transform_9, window_bounds = array<i64: 8, 32>}, {pipeline_mode = #tpu.pipeline_mode<synchronous>, transform_indices = @transform_10, window_bounds = array<i64: 32, 32>}, {pipeline_mode = #tpu.pipeline_mode<synchronous>, transform_indices = @transform_11, window_bounds = array<i64: 1, 32>}, {pipeline_mode = #tpu.pipeline_mode<synchronous>, transform_indices = @transform_12, window_bounds = array<i64: 8, 32>}, {pipeline_mode = #tpu.pipeline_mode<synchronous>, transform_indices = @transform_13, window_bounds = array<i64: 32, 32>}, {pipeline_mode = #tpu.pipeline_mode<synchronous>, transform_indices = @transform_14, window_bounds = array<i64: 1, 32>}, {pipeline_mode = #tpu.pipeline_mode<synchronous>, transform_indices = @transform_15, window_bounds = array<i64: 1, 32>}, {pipeline_mode = #tpu.pipeline_mode<synchronous>, transform_indices = @transform_16, window_bounds = array<i64: 1, 1>}, {transform_indices = @transform_17, window_bounds = array<i64: 2000, 1>}, {transform_indices = @transform_18, window_bounds = array<i64: 2000, 32>}]} {
    %get3A = arith.constant 0 : index
    %get3A_0 = arith.constant 0 : index
    %get3A_1 = vector.load %arg1[%get3A, %get3A_0] : memref<2000x1xf32, #tpu.memory_space<vmem>>, vector<2000x1xf32>
    %add3A = arith.constant 1.000000e+00 : f32
    %add3A_2 = vector.broadcast %add3A : f32 to vector<2000x1xf32>
    %add3A_3 = arith.addf %add3A_2, %get3A_1 : vector<2000x1xf32>
    %get3A_4 = arith.constant 0 : index
    %get3A_5 = arith.constant 0 : index
    %get3A_6 = vector.load %arg2[%get3A_4, %get3A_5] : memref<2000x1xf32, #tpu.memory_space<vmem>>, vector<2000x1xf32>
    %add3A_7 = arith.addf %add3A_3, %get3A_6 : vector<2000x1xf32>
    %rsqrt3A = math.rsqrt %add3A_7 : vector<2000x1xf32>
    %get3A_8 = arith.constant 0 : index
    %get3A_9 = arith.constant 0 : index
    %get3A_10 = vector.load %arg3[%get3A_8, %get3A_9] : memref<2000x8xf32, #tpu.memory_space<vmem>>, vector<2000x8xf32>
    %get3A_11 = arith.constant 0 : index
    %get3A_12 = arith.constant 0 : index
    %get3A_13 = vector.load %arg4[%get3A_11, %get3A_12] : memref<2000x8xf32, #tpu.memory_space<vmem>>, vector<2000x8xf32>
    %add3A_14 = arith.addf %get3A_10, %get3A_13 : vector<2000x8xf32>
    %mul3A = vector.broadcast %rsqrt3A : vector<2000x1xf32> to vector<2000x8xf32>
    %mul3A_15 = arith.mulf %mul3A, %add3A_14 : vector<2000x8xf32>
    %get3A_16 = arith.constant 0 : index
    %get3A_17 = arith.constant 0 : index
    %get3A_18 = vector.load %arg5[%get3A_16, %get3A_17] : memref<2000x8xf32, #tpu.memory_space<vmem>>, vector<2000x8xf32>
    %div3A = vector.broadcast %add3A_7 : vector<2000x1xf32> to vector<2000x8xf32>
    %div3A_19 = arith.divf %get3A_18, %div3A : vector<2000x8xf32>
    %add3A_20 = arith.addf %mul3A_15, %div3A_19 : vector<2000x8xf32>
    %get3A_21 = arith.constant 0 : index
    %get3A_22 = arith.constant 0 : index
    %get3A_23 = vector.load %arg6[%get3A_21, %get3A_22] : memref<2000x32xf32, #tpu.memory_space<vmem>>, vector<2000x32xf32>
    %get3A_24 = arith.constant 0 : index
    %get3A_25 = arith.constant 0 : index
    %get3A_26 = vector.load %arg7[%get3A_24, %get3A_25] : memref<8x32xf32, #tpu.memory_space<vmem>>, vector<8x32xf32>
    %dot_general3A = arith.constant dense<0.000000e+00> : vector<2000x32xf32>
    %dot_general3A_27 = tpu.matmul %add3A_20, %get3A_26, %dot_general3A {dimension_numbers = #tpu.dot_dimension_numbers<[1], [0], [0], [1], [0, 0, 1, 1], [], []>, transpose_lhs_hint = false} : vector<2000x8xf32>, vector<8x32xf32>, vector<2000x32xf32> -> vector<2000x32xf32>
    %get3A_28 = arith.constant 0 : index
    %get3A_29 = arith.constant 0 : index
    %get3A_30 = vector.load %arg8[%get3A_28, %get3A_29] : memref<32x32xf32, #tpu.memory_space<vmem>>, vector<32x32xf32>
    %dot_general3A_31 = arith.constant dense<0.000000e+00> : vector<2000x32xf32>
    %dot_general3A_32 = tpu.matmul %get3A_23, %get3A_30, %dot_general3A_31 {dimension_numbers = #tpu.dot_dimension_numbers<[1], [0], [0], [1], [0, 0, 1, 1], [], []>, transpose_lhs_hint = false} : vector<2000x32xf32>, vector<32x32xf32>, vector<2000x32xf32> -> vector<2000x32xf32>
    %add3A_33 = arith.addf %dot_general3A_27, %dot_general3A_32 : vector<2000x32xf32>
    %get3A_34 = arith.constant 0 : index
    %get3A_35 = arith.constant 0 : index
    %get3A_36 = vector.load %arg9[%get3A_34, %get3A_35] : memref<1x32xf32, #tpu.memory_space<vmem>>, vector<1x32xf32>
    %add3A_37 = vector.broadcast %get3A_36 : vector<1x32xf32> to vector<2000x32xf32>
    %add3A_38 = arith.addf %add3A_33, %add3A_37 : vector<2000x32xf32>
    %logistic3A = arith.negf %add3A_38 : vector<2000x32xf32>
    %logistic3A_39 = math.exp %logistic3A : vector<2000x32xf32>
    %logistic3A_40 = arith.constant 1.000000e+00 : f32
    %logistic3A_41 = vector.broadcast %logistic3A_40 : f32 to vector<2000x32xf32>
    %logistic3A_42 = arith.addf %logistic3A_41, %logistic3A_39 : vector<2000x32xf32>
    %logistic3A_43 = arith.divf %logistic3A_41, %logistic3A_42 : vector<2000x32xf32>
    %get3A_44 = arith.constant 0 : index
    %get3A_45 = arith.constant 0 : index
    %get3A_46 = vector.load %arg10[%get3A_44, %get3A_45] : memref<8x32xf32, #tpu.memory_space<vmem>>, vector<8x32xf32>
    %dot_general3A_47 = arith.constant dense<0.000000e+00> : vector<2000x32xf32>
    %dot_general3A_48 = tpu.matmul %add3A_20, %get3A_46, %dot_general3A_47 {dimension_numbers = #tpu.dot_dimension_numbers<[1], [0], [0], [1], [0, 0, 1, 1], [], []>, transpose_lhs_hint = false} : vector<2000x8xf32>, vector<8x32xf32>, vector<2000x32xf32> -> vector<2000x32xf32>
    %get3A_49 = arith.constant 0 : index
    %get3A_50 = arith.constant 0 : index
    %get3A_51 = vector.load %arg11[%get3A_49, %get3A_50] : memref<32x32xf32, #tpu.memory_space<vmem>>, vector<32x32xf32>
    %dot_general3A_52 = arith.constant dense<0.000000e+00> : vector<2000x32xf32>
    %dot_general3A_53 = tpu.matmul %get3A_23, %get3A_51, %dot_general3A_52 {dimension_numbers = #tpu.dot_dimension_numbers<[1], [0], [0], [1], [0, 0, 1, 1], [], []>, transpose_lhs_hint = false} : vector<2000x32xf32>, vector<32x32xf32>, vector<2000x32xf32> -> vector<2000x32xf32>
    %add3A_54 = arith.addf %dot_general3A_48, %dot_general3A_53 : vector<2000x32xf32>
    %get3A_55 = arith.constant 0 : index
    %get3A_56 = arith.constant 0 : index
    %get3A_57 = vector.load %arg12[%get3A_55, %get3A_56] : memref<1x32xf32, #tpu.memory_space<vmem>>, vector<1x32xf32>
    %add3A_58 = vector.broadcast %get3A_57 : vector<1x32xf32> to vector<2000x32xf32>
    %add3A_59 = arith.addf %add3A_54, %add3A_58 : vector<2000x32xf32>
    %logistic3A_60 = arith.negf %add3A_59 : vector<2000x32xf32>
    %logistic3A_61 = math.exp %logistic3A_60 : vector<2000x32xf32>
    %logistic3A_62 = arith.constant 1.000000e+00 : f32
    %logistic3A_63 = vector.broadcast %logistic3A_62 : f32 to vector<2000x32xf32>
    %logistic3A_64 = arith.addf %logistic3A_63, %logistic3A_61 : vector<2000x32xf32>
    %logistic3A_65 = arith.divf %logistic3A_63, %logistic3A_64 : vector<2000x32xf32>
    %get3A_66 = arith.constant 0 : index
    %get3A_67 = arith.constant 0 : index
    %get3A_68 = vector.load %arg13[%get3A_66, %get3A_67] : memref<8x32xf32, #tpu.memory_space<vmem>>, vector<8x32xf32>
    %dot_general3A_69 = arith.constant dense<0.000000e+00> : vector<2000x32xf32>
    %dot_general3A_70 = tpu.matmul %add3A_20, %get3A_68, %dot_general3A_69 {dimension_numbers = #tpu.dot_dimension_numbers<[1], [0], [0], [1], [0, 0, 1, 1], [], []>, transpose_lhs_hint = false} : vector<2000x8xf32>, vector<8x32xf32>, vector<2000x32xf32> -> vector<2000x32xf32>
    %mul3A_71 = arith.mulf %get3A_23, %logistic3A_65 : vector<2000x32xf32>
    %get3A_72 = arith.constant 0 : index
    %get3A_73 = arith.constant 0 : index
    %get3A_74 = vector.load %arg14[%get3A_72, %get3A_73] : memref<32x32xf32, #tpu.memory_space<vmem>>, vector<32x32xf32>
    %dot_general3A_75 = arith.constant dense<0.000000e+00> : vector<2000x32xf32>
    %dot_general3A_76 = tpu.matmul %mul3A_71, %get3A_74, %dot_general3A_75 {dimension_numbers = #tpu.dot_dimension_numbers<[1], [0], [0], [1], [0, 0, 1, 1], [], []>, transpose_lhs_hint = false} : vector<2000x32xf32>, vector<32x32xf32>, vector<2000x32xf32> -> vector<2000x32xf32>
    %add3A_77 = arith.addf %dot_general3A_70, %dot_general3A_76 : vector<2000x32xf32>
    %get3A_78 = arith.constant 0 : index
    %get3A_79 = arith.constant 0 : index
    %get3A_80 = vector.load %arg15[%get3A_78, %get3A_79] : memref<1x32xf32, #tpu.memory_space<vmem>>, vector<1x32xf32>
    %add3A_81 = vector.broadcast %get3A_80 : vector<1x32xf32> to vector<2000x32xf32>
    %add3A_82 = arith.addf %add3A_77, %add3A_81 : vector<2000x32xf32>
    %tanh3A = math.tanh %add3A_82 : vector<2000x32xf32>
    %mul3A_83 = arith.mulf %logistic3A_43, %get3A_23 : vector<2000x32xf32>
    %sub3A = arith.constant 1.000000e+00 : f32
    %sub3A_84 = vector.broadcast %sub3A : f32 to vector<2000x32xf32>
    %sub3A_85 = arith.subf %sub3A_84, %logistic3A_43 : vector<2000x32xf32>
    %mul3A_86 = arith.mulf %sub3A_85, %tanh3A : vector<2000x32xf32>
    %add3A_87 = arith.addf %mul3A_83, %mul3A_86 : vector<2000x32xf32>
    %swap3A = arith.constant 0 : index
    %swap3A_88 = arith.constant 0 : index
    %swap3A_89 = vector.load %arg19[%swap3A, %swap3A_88] : memref<2000x32xf32, #tpu.memory_space<vmem>>, vector<2000x32xf32>
    tpu.vector_store %arg19[%swap3A, %swap3A_88], %add3A_87 {strides = array<i32>} : memref<2000x32xf32, #tpu.memory_space<vmem>>, vector<2000x32xf32>,
    %max3A = arith.constant 0.000000e+00 : f32
    %max3A_90 = vector.broadcast %max3A : f32 to vector<2000x32xf32>
    %max3A_91 = arith.maximumf %add3A_87, %max3A_90 : vector<2000x32xf32>
    %get3A_92 = arith.constant 0 : index
    %get3A_93 = arith.constant 0 : index
    %get3A_94 = vector.load %arg16[%get3A_92, %get3A_93] : memref<1x32xf32, #tpu.memory_space<vmem>>, vector<1x32xf32>
    %mul3A_95 = vector.broadcast %get3A_94 : vector<1x32xf32> to vector<2000x32xf32>
    %mul3A_96 = arith.mulf %max3A_91, %mul3A_95 : vector<2000x32xf32>
    %reduce_sum3A = arith.constant dense<0.000000e+00> : vector<2000xf32>
    %reduce_sum3A_97 = vector.multi_reduction <add>, %mul3A_96, %reduce_sum3A [1] : vector<2000x32xf32> to vector<2000xf32>
    %broadcast_in_dim3A = vector.shape_cast %reduce_sum3A_97 : vector<2000xf32> to vector<2000x1xf32>
    %get3A_98 = arith.constant 0 : index
    %get3A_99 = arith.constant 0 : index
    %get3A_100 = vector.load %arg17[%get3A_98, %get3A_99] : memref<1x1xf32, #tpu.memory_space<vmem>>, vector<1x1xf32>
    %add3A_101 = vector.broadcast %get3A_100 : vector<1x1xf32> to vector<2000x1xf32>
    %add3A_102 = arith.addf %broadcast_in_dim3A, %add3A_101 : vector<2000x1xf32>
    %swap3A_103 = arith.constant 0 : index
    %swap3A_104 = arith.constant 0 : index
    %swap3A_105 = vector.load %arg18[%swap3A_103, %swap3A_104] : memref<2000x1xf32, #tpu.memory_space<vmem>>, vector<2000x1xf32>
    tpu.vector_store %arg18[%swap3A_103, %swap3A_104], %add3A_102 {strides = array<i32>} : memref<2000x1xf32, #tpu.memory_space<vmem>>, vector<2000x1xf32>,
    return
  }
  func.func @transform_0(%arg0: i32) -> (i32, i32) {
    %c0_i32 = arith.constant 0 : i32
    %c0_i32_0 = arith.constant 0 : i32
    return %arg0, %c0_i32 : i32, i32
  }
  func.func @transform_1(%arg0: i32) -> (i32, i32) {
    %c0_i32 = arith.constant 0 : i32
    %c0_i32_0 = arith.constant 0 : i32
    return %arg0, %c0_i32 : i32, i32
  }
  func.func @transform_2(%arg0: i32) -> (i32, i32) {
    %c0_i32 = arith.constant 0 : i32
    %c0_i32_0 = arith.constant 0 : i32
    return %arg0, %c0_i32 : i32, i32
  }
  func.func @transform_3(%arg0: i32) -> (i32, i32) {
    %c0_i32 = arith.constant 0 : i32
    %c0_i32_0 = arith.constant 0 : i32
    return %arg0, %c0_i32 : i32, i32
  }
  func.func @transform_4(%arg0: i32) -> (i32, i32) {
    %c0_i32 = arith.constant 0 : i32
    %c0_i32_0 = arith.constant 0 : i32
    return %arg0, %c0_i32 : i32, i32
  }
  func.func @transform_5(%arg0: i32) -> (i32, i32) {
    %c0_i32 = arith.constant 0 : i32
    %c0_i32_0 = arith.constant 0 : i32
    return %arg0, %c0_i32 : i32, i32
  }
  func.func @transform_6(%arg0: i32) -> (i32, i32) {
    %c0_i32 = arith.constant 0 : i32
    %c0_i32_0 = arith.constant 0 : i32
    %c0_i32_1 = arith.constant 0 : i32
    return %c0_i32, %c0_i32_0 : i32, i32
  }
  func.func @transform_7(%arg0: i32) -> (i32, i32) {
    %c0_i32 = arith.constant 0 : i32
    %c0_i32_0 = arith.constant 0 : i32
    %c0_i32_1 = arith.constant 0 : i32
    return %c0_i32, %c0_i32_0 : i32, i32
  }
  func.func @transform_8(%arg0: i32) -> (i32, i32) {
    %c0_i32 = arith.constant 0 : i32
    %c0_i32_0 = arith.constant 0 : i32
    %c0_i32_1 = arith.constant 0 : i32
    return %c0_i32, %c0_i32_0 : i32, i32
  }
  func.func @transform_9(%arg0: i32) -> (i32, i32) {
    %c0_i32 = arith.constant 0 : i32
    %c0_i32_0 = arith.constant 0 : i32
    %c0_i32_1 = arith.constant 0 : i32
    return %c0_i32, %c0_i32_0 : i32, i32
  }
  func.func @transform_10(%arg0: i32) -> (i32, i32) {
    %c0_i32 = arith.constant 0 : i32
    %c0_i32_0 = arith.constant 0 : i32
    %c0_i32_1 = arith.constant 0 : i32
    return %c0_i32, %c0_i32_0 : i32, i32
  }
  func.func @transform_11(%arg0: i32) -> (i32, i32) {
    %c0_i32 = arith.constant 0 : i32
    %c0_i32_0 = arith.constant 0 : i32
    %c0_i32_1 = arith.constant 0 : i32
    return %c0_i32, %c0_i32_0 : i32, i32
  }
  func.func @transform_12(%arg0: i32) -> (i32, i32) {
    %c0_i32 = arith.constant 0 : i32
    %c0_i32_0 = arith.constant 0 : i32
    %c0_i32_1 = arith.constant 0 : i32
    return %c0_i32, %c0_i32_0 : i32, i32
  }
  func.func @transform_13(%arg0: i32) -> (i32, i32) {
    %c0_i32 = arith.constant 0 : i32
    %c0_i32_0 = arith.constant 0 : i32
    %c0_i32_1 = arith.constant 0 : i32
    return %c0_i32, %c0_i32_0 : i32, i32
  }
  func.func @transform_14(%arg0: i32) -> (i32, i32) {
    %c0_i32 = arith.constant 0 : i32
    %c0_i32_0 = arith.constant 0 : i32
    %c0_i32_1 = arith.constant 0 : i32
    return %c0_i32, %c0_i32_0 : i32, i32
  }
  func.func @transform_15(%arg0: i32) -> (i32, i32) {
    %c0_i32 = arith.constant 0 : i32
    %c0_i32_0 = arith.constant 0 : i32
    %c0_i32_1 = arith.constant 0 : i32
    return %c0_i32, %c0_i32_0 : i32, i32
  }
  func.func @transform_16(%arg0: i32) -> (i32, i32) {
    %c0_i32 = arith.constant 0 : i32
    %c0_i32_0 = arith.constant 0 : i32
    %c0_i32_1 = arith.constant 0 : i32
    return %c0_i32, %c0_i32_0 : i32, i32
  }
  func.func @transform_17(%arg0: i32) -> (i32, i32) {
    %c0_i32 = arith.constant 0 : i32
    %c0_i32_0 = arith.constant 0 : i32
    return %arg0, %c0_i32 : i32, i32
  }
  func.func @transform_18(%arg0: i32) -> (i32, i32) {
    %c0_i32 = arith.constant 0 : i32
    %c0_i32_0 = arith.constant 0 : i32
    return %arg0, %c0_i32 : i32, i32
  }
}

</mosaic_0001>

<sc_bundles>
// kernel: kernel.5.cloned.1.call-start
scs
__scs_entry_jumppad:
0x0: {  	(pc) =	sbr.rel $0x88, $3  }
0x1: {  	(tag) =	ssettag $0x0;
	lr =	simm.s32 $0x1  }
0x2: {  	[smem:$0x3F8F] =	sst lr;
	_ =	strace $0xD0000000  }
0x3: {  	_ = 	snop  }
0x4: {  	_ = 	snop  }
0x5: {  	_ = 	snop  }
0x6: {  	_ = 	snop  }
0x7: {  	_ = 	snop  }
__scs_overlays_trampoline_lowered:
0x8: {  	[smem:$0x3F9E] =	sst s0  }
0x9: {  	[smem:$0x3F9F] =	sst s1  }
0xa: {  	[smem:$0x3FA0] =	sst s2  }
0xb: {  	[smem:$0x3FA1] =	sst s3  }
0xc: {  	[smem:$0x3FA2] =	sst s4  }
0xd: {  	[smem:$0x3FA3] =	sst s5  }
0xe: {  	[smem:$0x3FA4] =	sst s6  }
0xf: {  	[smem:$0x3FA5] =	sst s7  }
0x10: {  	[smem:$0x3FA6] =	sst s8  }
0x11: {  	[smem:$0x3FA7] =	sst s9;
	s0 =	simm.s32 @!p0 $0x0  }
0x12: {  	s1 =	sld [smem:$0x3F8D];
	s0 =	simm.s32 @p0 $0x1  }
0x13: {  	[smem:$0x3FA8] =	sst s0;
	s0 =	simm.s32 @!p1 $0x0  }
0x14: {  	s2 =	sld [smem:$0x3F8C];
	s0 =	simm.s32 @p1 $0x1  }
0x15: {  	[smem:$0x3FA9] =	sst s0;
	s0 =	simm.s32 @!p2 $0x0  }
0x16: {  	s3 =	sld [smem:$0x3FDB];
	s0 =	simm.s32 @p2 $0x1  }
0x17: {  	s4 =	simm.s32 $0x1BF5;
	[smem:$0x3FAB] =	sst s0  }
0x18: {  	s0 =	sld [smem:$0x3F8E];
	_ =	swait.ge [sflag:s4], $0x0  }
0x19: {  	s7 =	sld [smem:$0x3F8F]  }
0x1a: {  	s8 =	sadd.s32 $0xFFFFE003, lr  }
0x1b: {  	s9 =	sadd.s32 $0xFFFFFEF7, lr;
	s5 =	simm.s32 $0xFFFFFFFF;
	p2 =	slt.u32 s8, $0xFFFFF086  }
0x1c: {  	p1 =	slt.u32 s9, $0xF7A;
	s5 =	simm.s32 @!p2 $0x0  }
0x1d: {  	s5 =	simm.s32 @p1 $0x1;
	p0 =	seq.s32 s7, s2  }
0x1e: {  	s7 =	smul.u32 @!p0 $0xF7A, s2;
	p2 =	seq.s32 @!p0 s5, $0x0  }
0x1f: {  	s9 =	smul.u32 $0xF7A, s1;
	s8 =	simm.s32 @!p0 $0x1BF5;
	p2 =	por !p2, p0  }
0x20: {  	[sflag:s8] =	ssyncset.s32 @!p0 $0xFFFFF086;
	s6 =	sadd.s32 @!p0 s3, s7;
	s7 =	simm.s32 @!p0 $0x108  }
0x21: {  	s3 =	sadd.s32 s3, s9;
	s6 =	sadd.s32 @!p0 $0x88, s6;
	s7 =	simm.s32 @p2 $0x1082  }
0x22: {  	[simem:s7], [sflag:s8] =	dma.local @!p0 [hbm:s6], $0xF7A  }
0x23: {  	s9 =	sor.u32 $0xD0000000, s2;
	s6 =	simm.s32 $0x108;
	_ =	swait.ge @!p0 [sflag:s8], $0x0  }
0x24: {  	s3 =	sadd.s32 $0x88, s3;
	s6 =	simm.s32 @!p1 $0x1082;
	[sflag:s4] =	ssyncset.s32 $0xFFFFF086  }
0x25: {  	[simem:s6], [sflag:s4] =	dma.local [hbm:s3], $0xF7A  }
0x26: {  	[smem:$0x3F8F] =	sst s1;
	(tag) =	ssettag s2;
	_ =	strace s9  }
0x27: {  	s1 =	sld [smem:$0x3F9F]  }
0x28: {  	s2 =	sld [smem:$0x3FA0]  }
0x29: {  	s4 =	sld [smem:$0x3FA2]  }
0x2a: {  	p0 =	seq.s32 s5, $0x0;
	s5 =	sld [smem:$0x3FA3]  }
0x2b: {  	s6 =	sld [smem:$0x3FA4]  }
0x2c: {  	s7 =	sld [smem:$0x3FA5]  }
0x2d: {  	s3 =	simm.s32 $0x108;
	s8 =	sld [smem:$0x3FA6]  }
0x2e: {  	s3 =	simm.s32 @!p0 $0x1082;
	s9 =	sld [smem:$0x3FA7]  }
0x2f: {  	lr =	sadd.s32 s0, s3;
	s0 =	sld [smem:$0x3F9E]  }
0x30: {  	s3 =	sld [smem:$0x3FA1]  }
0x31: {  	[smem:$0x3FAA] =	sst s10  }
0x32: {  	s10 =	sld [smem:$0x3FA8];
	_ =	sdelay $0x3  }
0x33: {  	p0 =	seq.s32 s10, $0x1;
	s10 =	sld [smem:$0x3FAA];
	_ =	sdelay $0x3  }
0x34: {  	[smem:$0x3FAA] =	sst s10  }
0x35: {  	s10 =	sld [smem:$0x3FA9];
	_ =	sdelay $0x3  }
0x36: {  	p1 =	seq.s32 s10, $0x1;
	s10 =	sld [smem:$0x3FAA];
	_ =	sdelay $0x3  }
0x37: {  	[smem:$0x3FAA] =	sst s10  }
0x38: {  	s10 =	sld [smem:$0x3FAB]  }
0x39: {  	_ = 	snop;
	(pc) =	sbr.ind lr, $3  }
0x3a: {  	_ = 	snop  }
0x3b: {  	_ = 	snop  }
0x3c: {  	p2 =	seq.s32 s10, $0x1;
	s10 =	sld [smem:$0x3FAA]  }
0x3d: {  	_ =	shalt  }
0x3e: {  	_ =	shalt  }
0x3f: {  	_ =	shalt  }
0x40: {  	_ =	shalt  }
0x41: {  	_ =	shalt  }
0x42: {  	_ =	shalt  }
0x43: {  	_ =	shalt  }
0x44: {  	_ =	shalt  }
0x45: {  	_ =	shalt  }
0x46: {  	_ =	shalt  }
0x47: {  	_ =	shalt  }
0x48: {  	_ =	shalt  }
0x49: {  	_ =	shalt  }
0x4a: {  	_ =	shalt  }
0x4b: {  	_ =	shalt  }
0x4c: {  	_ =	shalt  }
0x4d: {  	_ =	shalt  }
0x4e: {  	_ =	shalt  }
0x4f: {  	_ =	shalt  }
0x50: {  	_ =	shalt  }
0x51: {  	_ =	shalt  }
0x52: {  	_ =	shalt  }
0x53: {  	_ =	shalt  }
0x54: {  	_ =	shalt  }
0x55: {  	_ =	shalt  }
0x56: {  	_ =	shalt  }
0x57: {  	_ =	shalt  }
0x58: {  	_ =	shalt  }
0x59: {  	_ =	shalt  }
0x5a: {  	_ =	shalt  }
0x5b: {  	_ =	shalt  }
0x5c: {  	_ =	shalt  }
0x5d: {  	_ =	shalt  }
0x5e: {  	_ =	shalt  }
0x5f: {  	_ =	shalt  }
0x60: {  	_ =	shalt  }
0x61: {  	_ =	shalt  }
0x62: {  	_ =	shalt  }
0x63: {  	_ =	shalt  }
0x64: {  	_ =	shalt  }
0x65: {  	_ =	shalt  }
0x66: {  	_ =	shalt  }
0x67: {  	_ =	shalt  }
0x68: {  	_ =	shalt  }
0x69: {  	_ =	shalt  }
0x6a: {  	_ =	shalt  }
0x6b: {  	_ =	shalt  }
0x6c: {  	_ =	shalt  }
0x6d: {  	_ =	shalt  }
0x6e: {  	_ =	shalt  }
0x6f: {  	_ =	shalt  }
0x70: {  	_ =	shalt  }
0x71: {  	_ =	shalt  }
0x72: {  	_ =	shalt  }
0x73: {  	_ =	shalt  }
0x74: {  	_ =	shalt  }
0x75: {  	_ =	shalt  }
0x76: {  	_ =	shalt  }
0x77: {  	_ =	shalt  }
0x78: {  	_ =	shalt  }
0x79: {  	_ =	shalt  }
0x7a: {  	_ =	shalt  }
0x7b: {  	_ =	shalt  }
0x7c: {  	_ =	shalt  }
0x7d: {  	_ =	shalt  }
0x7e: {  	_ =	shalt  }
0x7f: {  	_ =	shalt  }
0x80: {  	_ =	shalt  }
0x81: {  	_ =	shalt  }
0x82: {  	_ =	shalt  }
0x83: {  	_ =	shalt  }
0x84: {  	_ =	shalt  }
0x85: {  	_ =	shalt  }
0x86: {  	_ =	shalt  }
0x87: {  	_ =	shalt  }
.Lfunc_end0:
.L_simem_size_0:
called_computation_lowered:
.L_overlay_start_0:
0x88: {  	s2 =	sld [smem:$0x3FD9]  }
0x89: {  	s3 =	sld [smem:$0x3FFE];
	_ =	sdelay $0x1  }
0x8a: {  	s1 =	srdreg.scid  }
0x8b: {  	s0 =	sand.u32 $0x1, s1  }
0x8c: {  	s17 =	sshll.u32 s0, $0xA;
	s2 =	sadd.s32 s3, s2  }
0x8d: {  	s2 =	sadd.s32 s2, s17  }
0x8e: {  	[smem:$0x3FB6] =	sst s2  }
0x8f: {  	_ = 	snop  }
0x90: {  	s2 =	sld [smem:$0x3FC7];
	(tm) =	ssettm $0x1  }
0x91: {  	s18 =	sld [smem:$0x3FFB];
	_ =	sdelay $0x3  }
0x92: {  	_ =	strace s18  }
0x93: {  	s3 =	sld [smem:$0x3FFC];
	_ =	sdelay $0x3  }
0x94: {  	_ =	strace s3  }
0x95: {  	s3 =	sld [smem:$0x3FFD];
	_ =	sdelay $0x3  }
0x96: {  	_ =	strace s3  }
0x97: {  	_ =	strace $0x8FFFFFFF  }
0x98: {  	s19 =	sld [smem:$0x3FDB];
	_ =	sdelay $0x1  }
0x99: {  	s4 =	simm.s32 $_scs_section_size  }
0x9a: {  	s5 =	simm.s32 $_size__tile_overlayer_lowered;
	s6 =	simm.s32 $_tile_overlayer_lowered  }
0x9b: {  	s22 =	simm.s32 $0x1BFF;
	s21 =	sshll.u32 s6, $0x1;
	s3 =	sadd.s32 s4, s19  }
0x9c: {  	s7 =	simm.s32 $0x0;
	s20 =	sshll.u32 s5, $0x1;
	s5 =	sadd.s32 s21, s3  }
0x9d: {  	[timem:s7], [sflag:s22] =	dma.local [hbm:s5], s20  }
0x9e: {  	_ =	swait.ge [sflag:s22], s20  }
0x9f: {  	s4 =	ssub.s32 $0x0, s20;
	[sflag:s22] =	ssyncset.done $0x0  }
0xa0: {  	[sflag:s22] =	ssyncadd.s32 s4;
	_ =	sdelay $0x1  }
0xa1: {  	s23 =	simm.s32 $0x1B8B  }
0xa2: {  	_ =	swait.ge [sflag:s23], $0x1  }
0xa3: {  	[sflag:s23] =	ssyncset.done $0x0  }
0xa4: {  	s25 =	simm.s32 $0x1B8E;
	s24 =	sld [smem:$0x3FFE];
	[sflag:s23] =	ssyncadd.s32 $0xFFFFFFFF  }
0xa5: {  	s26 =	simm.s32 $execute0_lowered;
	[smem:$0x3FD2] =	sst s25  }
0xa6: {  	s5 =	sshll.u32 s26, $0x1;
	_ =	strace $0x80000046;
	[dreg:$0x1] =	wrdreg $0xFFFFFFFF  }
0xa7: {  	s28 =	simm.s32 $_size_execute0_lowered;
	s3 =	sadd.s32 s3, s5;
	[dreg:$0x0] =	wrdreg $0x0  }
0xa8: {  	s5 =	sshll.u32 s28, $0x1;
	[dreg:$0x2] =	wrdreg s3  }
0xa9: {  	[dreg:$0x3] =	wrdreg s5  }
0xaa: {  	[dreg:$0x4] =	wrdreg $0xC0  }
0xab: {  	_ =	task [dreg:s7], $0x5FFFF  }
0xac: {  	[dreg:$0x1] =	wrdreg $0xFFFFFFFF  }
0xad: {  	[dreg:$0x0] =	wrdreg $0x60  }
0xae: {  	[dreg:$0x2] =	wrdreg s24  }
0xaf: {  	[dreg:$0x3] =	wrdreg s2  }
0xb0: {  	[dreg:$0x4] =	wrdreg $0x40100  }
0xb1: {  	[dreg:$0x5] =	wrdreg $0x9  }
0xb2: {  	_ =	task.clear_ibuf [dreg:s7], $0x6FFFF;
	_ =	strace $0x90000046  }
0xb3: {  	s29 =	simm.s32 $0x9;
	_ =	strace $0x80000048  }
0xb4: {  	_ =	swait.ge [sflag:s29], $0x1  }
0xb5: {  	[sflag:s29] =	ssyncadd.s32 $0xFFFFFFFF  }
0xb6: {  	_ =	strace $0x90000048  }
0xb7: {  	_ =	sfence  }
0xb8: {  	s30 =	sld [smem:$0x0];
	_ =	sdelay $0x2  }
0xb9: {  	s31 =	sshll.u32 s1, $0xD;
	s1 =	sshrl.u32 s1, $0x2  }
0xba: {  	s3 =	sand.u32 $0x4000, s31;
	s1 =	sadd.s32 s1, s30  }
0xbb: {  	s0 =	sor.u32 s3, s0;
	s1 =	sshll.u32 s1, $0x11  }
0xbc: {  	s0 =	sor.u32 s1, s0  }
0xbd: {  	s0 =	sadd.s32 $0x8F2B, s0  }
0xbe: {  	[sflag:s0] =	ssyncadd.remote.s32 $0x1  }
0xbf: {  	_ =	sfence.sel $0xFFFF  }
0xc0: {  	[dreg:$0x0] =	wrdreg $0xFFFFFFFF;
	(pc) =	sbr.abs _section_cstart, $3  }
0xc1: {  	[dreg:$0x1] =	wrdreg $0xFFFFFFFF  }
0xc2: {  	_ =	task.clear_ibuf [dreg:s7], $0x2FFFF;
	_ =	strace $0x9FFFFFFF  }
0xc3: {  	(tm) =	ssettm $0x7FFFFFFF  }
tec
execute0_lowered:
.L_overlay_start_1:
0x0: {  	(tag) =	ssettag $0x1  }
0x1: {  	s4 =	rddreg [dreg:$0x0]  }
0x2: {  	s7 =	rddreg [dreg:$0x1]  }
0x3: {  	s0 =	srdreg.scid;
	s2 =	rddreg [dreg:$0x2]  }
0x4: {  	s1 =	rddreg [dreg:$0x3];
	s5 =	sand.u32 $0x1, s0  }
0x5: {  	s3 =	simm.s32 $0x0;
	s0 =	stileid.u32;
	s6 =	smul.u32 $0xC3500, s5  }
0x6: {  	s14 =	simm.s32 $0x0;
	[smem:$0x7FF] =	sst s3;
	s8 =	smul.u32 $0xC350, s0  }
0x7: {  	_ =	strace $0x80000047;
	s29 =	ssub.s32 $0x2, s5;
	s9 =	smul.u32 $0x1900, s0  }
0x8: {  	p0 =	seq.s32 s5, $0x1;
	s5 =	simm.s32 $0x37E00;
	s31 =	sshll.u32 s0, $0x6  }
0x9: {  	s11 =	sshrl.u32 s29, $0x1;
	s5 =	simm.s32 @!p0 $0x34C00;
	s6 =	sadd.s32 s8, s6  }
0xa: {  	s30 =	sshrl.u32 s9, $0x3;
	s12 =	sadd.s32 s5, s4;
	s8 =	sshrl.u32 s6, $0x3  }
0xb: {  	s6 =	ssub.s32 s29, s11;
	s11 =	simm.s32 $0x1388;
	s10 =	sadd.s32 s8, s4  }
0xc: {  	s4 =	sadd.s32 s9, s2;
	s5 =	smax.u32 s6, $0x1;
	s6 =	sadd.s32 s12, s30  }
0xd: {  	s7 =	sadd.s32 s8, s7;
	s9 =	simm.s32 $0x2710;
	s12 =	sor.u32 $0x1C01, s31  }
0xe: {  	v0 =	vimm.f32 $0.0e+00;
	s8 =	sadd.s32 $0x3E00, s10;
	s10 =	simm.s32 $0x1;
	s13 =	sshrl.u32 s4, $0x3  }
.LBB2_1:
0xf: {  	s15 =	simm.s32 $0x40;
	s16 =	simm.s32 $0x0  }
.LBB2_2:
0x10: {  	p0 =	sne.s32 s15, $0x63C0;
	[tilespmem:s16+$0x2710] =	vst v0;
	s16 =	smov.u32 s15;
	s15 =	sadd.s32 $0x40, s15  }
.Ltmp0:
0x11: {  	(pc) =	sbr.rel @p0 .LBB2_2-.Ltmp0, $2  }
0x12: {  	_ =	sdelay $0x2  }
0x13: {  	s16 =	sshra.s32 s16, $0x2  }
0x14: {  	[tilespmem:s16+$0x2710] =	vst v0  }
0x15: {  	[spmem:s4] =	stream.linear.scatter [tilespmem:s9], [sflag:$0x1], $0x1900, $0x38;
	[tilespmem:$0x5910] =	vst v63  }
0x16: {  	_ =	swait.ge [sflag:s10], $0x1900  }
0x17: {  	[sflag:s10] =	ssyncset.done $0x0  }
0x18: {  	[sflag:s10] =	ssyncadd.s32 $0xFFFFE700  }
0x19: {  	s15 =	sadd.s32 $0x0, s8;
	[bflag:$0x0] =	sbarrier.arrive $0xFFFF  }
0x1a: {  	[tilespmem:s3], [sflag:$0x1] =	stream.linear.gather [hbm4b:s15+s3], $0x1388, $0x38;
	[tilespmem:$0x5910] =	vst v63  }
0x1b: {  	_ =	swait.ge [sflag:s10], $0x1388  }
0x1c: {  	[sflag:s10] =	ssyncset.done $0x0  }
0x1d: {  	s31 =	sadd.s32 $0x0, s7;
	[sflag:s10] =	ssyncadd.s32 $0xFFFFEC78  }
0x1e: {  	[tilespmem:s11], [sflag:$0x1] =	stream.linear.gather [hbm4b:s31+s3], $0x1388, $0x38;
	[tilespmem:$0x5910] =	vst v63  }
0x1f: {  	_ =	swait.ge [sflag:s10], $0x1388  }
0x20: {  	[sflag:s10] =	ssyncset.done $0x0  }
0x21: {  	[sflag:s10] =	ssyncadd.s32 $0xFFFFEC78  }
0x22: {  	[spmem:s2] =	stream.indirect.scatter.add.f32 [tilespmem:s11], [sflag:$0x1], $0x1, s3, s11, $0xb8;
	[tilespmem:$0x5910] =	vst v63  }
0x23: {  	_ =	swait.ge [sflag:s10], $0x1388  }
0x24: {  	s16 =	simm.s32 $0x4E2;
	s15 =	simm.s32 $0x271;
	[sflag:s10] =	ssyncset.done $0x0  }
.LBB2_4:
0x25: {  	s17 =	sadd.s32 s15, s8  }
0x26: {  	[sflag:s10] =	ssyncadd.s32 $0xFFFFEC78;
	s18 =	smov.u32 s16;
	s19 =	sadd.s32 $0x271, s16  }
0x27: {  	[tilespmem:s3], [sflag:$0x1] =	stream.linear.gather [hbm4b:s17+s3], $0x1388, $0x38;
	[tilespmem:$0x5910] =	vst v63  }
0x28: {  	p0 =	sne.s32 s16, $0x15F9;
	_ =	swait.ge [sflag:s10], $0x1388  }
0x29: {  	[sflag:s10] =	ssyncset.done $0x0  }
0x2a: {  	s16 =	sadd.s32 s15, s7;
	s15 =	smov.u32 s18;
	[sflag:s10] =	ssyncadd.s32 $0xFFFFEC78  }
0x2b: {  	[tilespmem:s11], [sflag:$0x1] =	stream.linear.gather [hbm4b:s16+s3], $0x1388, $0x38;
	[tilespmem:$0x5910] =	vst v63  }
0x2c: {  	_ =	swait.ge [sflag:s10], $0x1388  }
.Ltmp1:
0x2d: {  	[sflag:s10] =	ssyncset.done $0x0;
	(pc) =	sbr.rel @p0 .LBB2_4-.Ltmp1, $4  }
0x2e: {  	[sflag:s10] =	ssyncadd.s32 $0xFFFFEC78  }
0x2f: {  	[spmem:s2] =	stream.indirect.scatter.add.f32 [tilespmem:s11], [sflag:$0x1], $0x1, s3, s11, $0xb8;
	[tilespmem:$0x5910] =	vst v63  }
0x30: {  	_ =	swait.ge [sflag:s10], $0x1388  }
0x31: {  	s16 =	smov.u32 s19;
	[sflag:s10] =	ssyncset.done $0x0  }
0x32: {  	s16 =	sadd.s32 s15, s8;
	[sflag:s10] =	ssyncadd.s32 $0xFFFFEC78  }
0x33: {  	[tilespmem:s3], [sflag:$0x1] =	stream.linear.gather [hbm4b:s16+s3], $0x1388, $0x38;
	[tilespmem:$0x5910] =	vst v63  }
0x34: {  	_ =	swait.ge [sflag:s10], $0x1388  }
0x35: {  	[sflag:s10] =	ssyncset.done $0x0  }
0x36: {  	s31 =	sadd.s32 s15, s7;
	[sflag:s10] =	ssyncadd.s32 $0xFFFFEC78  }
0x37: {  	[tilespmem:s11], [sflag:$0x1] =	stream.linear.gather [hbm4b:s31+s3], $0x1388, $0x38;
	[tilespmem:$0x5910] =	vst v63  }
0x38: {  	_ =	swait.ge [sflag:s10], $0x1388  }
0x39: {  	[sflag:s10] =	ssyncset.done $0x0  }
0x3a: {  	[sflag:s10] =	ssyncadd.s32 $0xFFFFEC78  }
0x3b: {  	[spmem:s2] =	stream.indirect.scatter.add.f32 [tilespmem:s11], [sflag:$0x1], $0x1, s3, s11, $0xb8;
	[tilespmem:$0x5910] =	vst v63  }
0x3c: {  	_ =	swait.ge [sflag:s10], $0x1388  }
0x3d: {  	s14 =	sadd.s32 $0x1, s14;
	[sflag:s10] =	ssyncset.done $0x0  }
0x3e: {  	p0 =	sne.s32 s14, s5;
	[sflag:s10] =	ssyncadd.s32 $0xFFFFEC78  }
.Ltmp2:
0x3f: {  	[bflag:$0x0] =	sbarrier.arrive $0xFFFF;
	(pc) =	sbr.rel @p0 .LBB2_1-.Ltmp2, $4  }
0x40: {  	[hbm:s6], [sflag:s12] =	dma.local [spmem:s13], $0x320  }
0x41: {  	_ =	swait.ge [sflag:s10], $0x320  }
0x42: {  	[sflag:s10] =	ssyncset.done $0x0  }
0x43: {  	[sflag:s10] =	ssyncadd.s32 $0xFFFFFCE0  }
0x44: {  	_ =	sfence.sel $0x180000  }
0x45: {  	[bflag:$0x0] =	sbarrier.arrive $0xFFFF  }
0x46: {  	p0 =	sne.s32 s0, $0x0;
	_ =	strace $0x90000047  }
0x47: {  	s0 =	sadd.s32 @!p0 $0x100000, s1;
	[bflag:$0x2] =	sbarrier.arrive $0xFFFF  }
0x48: {  	[sflag:s0] =	ssyncadd.tile.s32 @!p0 $0x1;
	_ =	shalt  }
.Lfunc_end2:
_tile_overlayer_lowered:
.L_overlay_start_2:
0x49: {  	(tag) =	ssettag $0x2  }
0x4a: {  	s0 =	rddreg [dreg:$0x0];
	s2 =	stileid.u32  }
0x4b: {  	s1 =	rddreg [dreg:$0x1];
	p0 =	sne.s32 s2, $0x0  }
0x4c: {  	s3 =	rddreg [dreg:$0x2];
	[bflag:$0x3] =	sbarrier.arrive $0xFFFF;
	s2 =	simm.s32 @!p0 $0x1C01  }
0x4d: {  	[timem:s3], [sflag:s2] =	dma.local @!p0 [hbm:s0], s1  }
0x4e: {  	s0 =	simm.s32 @!p0 $0x1  }
0x4f: {  	_ =	swait.ge @!p0 [sflag:s0], s1  }
0x50: {  	s1 =	ssub.s32 @!p0 $0x0, s1;
	[sflag:s0] =	ssyncset.done @!p0 $0x0  }
0x51: {  	[sflag:s0] =	ssyncadd.s32 @!p0 s1  }
0x52: {  	[bflag:$0x3] =	sbarrier.arrive $0xFFFF  }
0x53: {  	_ =	shalt  }

// kernel: kernel.8.cloned.1.call-start
scs
__scs_entry_jumppad:
0x0: {  	(pc) =	sbr.rel $0x88, $3  }
0x1: {  	(tag) =	ssettag $0x0;
	lr =	simm.s32 $0x1  }
0x2: {  	[smem:$0x3F8F] =	sst lr;
	_ =	strace $0xD0000000  }
0x3: {  	_ = 	snop  }
0x4: {  	_ = 	snop  }
0x5: {  	_ = 	snop  }
0x6: {  	_ = 	snop  }
0x7: {  	_ = 	snop  }
__scs_overlays_trampoline_lowered:
0x8: {  	[smem:$0x3F9E] =	sst s0  }
0x9: {  	[smem:$0x3F9F] =	sst s1  }
0xa: {  	[smem:$0x3FA0] =	sst s2  }
0xb: {  	[smem:$0x3FA1] =	sst s3  }
0xc: {  	[smem:$0x3FA2] =	sst s4  }
0xd: {  	[smem:$0x3FA3] =	sst s5  }
0xe: {  	[smem:$0x3FA4] =	sst s6  }
0xf: {  	[smem:$0x3FA5] =	sst s7  }
0x10: {  	[smem:$0x3FA6] =	sst s8  }
0x11: {  	[smem:$0x3FA7] =	sst s9;
	s0 =	simm.s32 @!p0 $0x0  }
0x12: {  	s1 =	sld [smem:$0x3F8D];
	s0 =	simm.s32 @p0 $0x1  }
0x13: {  	[smem:$0x3FA8] =	sst s0;
	s0 =	simm.s32 @!p1 $0x0  }
0x14: {  	s2 =	sld [smem:$0x3F8C];
	s0 =	simm.s32 @p1 $0x1  }
0x15: {  	[smem:$0x3FA9] =	sst s0;
	s0 =	simm.s32 @!p2 $0x0  }
0x16: {  	s3 =	sld [smem:$0x3FDB];
	s0 =	simm.s32 @p2 $0x1  }
0x17: {  	s4 =	simm.s32 $0x1BF5;
	[smem:$0x3FAB] =	sst s0  }
0x18: {  	s0 =	sld [smem:$0x3F8E];
	_ =	swait.ge [sflag:s4], $0x0  }
0x19: {  	s7 =	sld [smem:$0x3F8F]  }
0x1a: {  	s8 =	sadd.s32 $0xFFFFE003, lr  }
0x1b: {  	s9 =	sadd.s32 $0xFFFFFEF7, lr;
	s5 =	simm.s32 $0xFFFFFFFF;
	p2 =	slt.u32 s8, $0xFFFFF086  }
0x1c: {  	p1 =	slt.u32 s9, $0xF7A;
	s5 =	simm.s32 @!p2 $0x0  }
0x1d: {  	s5 =	simm.s32 @p1 $0x1;
	p0 =	seq.s32 s7, s2  }
0x1e: {  	s7 =	smul.u32 @!p0 $0xF7A, s2;
	p2 =	seq.s32 @!p0 s5, $0x0  }
0x1f: {  	s9 =	smul.u32 $0xF7A, s1;
	s8 =	simm.s32 @!p0 $0x1BF5;
	p2 =	por !p2, p0  }
0x20: {  	[sflag:s8] =	ssyncset.s32 @!p0 $0xFFFFF086;
	s6 =	sadd.s32 @!p0 s3, s7;
	s7 =	simm.s32 @!p0 $0x108  }
0x21: {  	s3 =	sadd.s32 s3, s9;
	s6 =	sadd.s32 @!p0 $0x88, s6;
	s7 =	simm.s32 @p2 $0x1082  }
0x22: {  	[simem:s7], [sflag:s8] =	dma.local @!p0 [hbm:s6], $0xF7A  }
0x23: {  	s9 =	sor.u32 $0xD0000000, s2;
	s6 =	simm.s32 $0x108;
	_ =	swait.ge @!p0 [sflag:s8], $0x0  }
0x24: {  	s3 =	sadd.s32 $0x88, s3;
	s6 =	simm.s32 @!p1 $0x1082;
	[sflag:s4] =	ssyncset.s32 $0xFFFFF086  }
0x25: {  	[simem:s6], [sflag:s4] =	dma.local [hbm:s3], $0xF7A  }
0x26: {  	[smem:$0x3F8F] =	sst s1;
	(tag) =	ssettag s2;
	_ =	strace s9  }
0x27: {  	s1 =	sld [smem:$0x3F9F]  }
0x28: {  	s2 =	sld [smem:$0x3FA0]  }
0x29: {  	s4 =	sld [smem:$0x3FA2]  }
0x2a: {  	p0 =	seq.s32 s5, $0x0;
	s5 =	sld [smem:$0x3FA3]  }
0x2b: {  	s6 =	sld [smem:$0x3FA4]  }
0x2c: {  	s7 =	sld [smem:$0x3FA5]  }
0x2d: {  	s3 =	simm.s32 $0x108;
	s8 =	sld [smem:$0x3FA6]  }
0x2e: {  	s3 =	simm.s32 @!p0 $0x1082;
	s9 =	sld [smem:$0x3FA7]  }
0x2f: {  	lr =	sadd.s32 s0, s3;
	s0 =	sld [smem:$0x3F9E]  }
0x30: {  	s3 =	sld [smem:$0x3FA1]  }
0x31: {  	[smem:$0x3FAA] =	sst s10  }
0x32: {  	s10 =	sld [smem:$0x3FA8];
	_ =	sdelay $0x3  }
0x33: {  	p0 =	seq.s32 s10, $0x1;
	s10 =	sld [smem:$0x3FAA];
	_ =	sdelay $0x3  }
0x34: {  	[smem:$0x3FAA] =	sst s10  }
0x35: {  	s10 =	sld [smem:$0x3FA9];
	_ =	sdelay $0x3  }
0x36: {  	p1 =	seq.s32 s10, $0x1;
	s10 =	sld [smem:$0x3FAA];
	_ =	sdelay $0x3  }
0x37: {  	[smem:$0x3FAA] =	sst s10  }
0x38: {  	s10 =	sld [smem:$0x3FAB]  }
0x39: {  	_ = 	snop;
	(pc) =	sbr.ind lr, $3  }
0x3a: {  	_ = 	snop  }
0x3b: {  	_ = 	snop  }
0x3c: {  	p2 =	seq.s32 s10, $0x1;
	s10 =	sld [smem:$0x3FAA]  }
0x3d: {  	_ =	shalt  }
0x3e: {  	_ =	shalt  }
0x3f: {  	_ =	shalt  }
0x40: {  	_ =	shalt  }
0x41: {  	_ =	shalt  }
0x42: {  	_ =	shalt  }
0x43: {  	_ =	shalt  }
0x44: {  	_ =	shalt  }
0x45: {  	_ =	shalt  }
0x46: {  	_ =	shalt  }
0x47: {  	_ =	shalt  }
0x48: {  	_ =	shalt  }
0x49: {  	_ =	shalt  }
0x4a: {  	_ =	shalt  }
0x4b: {  	_ =	shalt  }
0x4c: {  	_ =	shalt  }
0x4d: {  	_ =	shalt  }
0x4e: {  	_ =	shalt  }
0x4f: {  	_ =	shalt  }
0x50: {  	_ =	shalt  }
0x51: {  	_ =	shalt  }
0x52: {  	_ =	shalt  }
0x53: {  	_ =	shalt  }
0x54: {  	_ =	shalt  }
0x55: {  	_ =	shalt  }
0x56: {  	_ =	shalt  }
0x57: {  	_ =	shalt  }
0x58: {  	_ =	shalt  }
0x59: {  	_ =	shalt  }
0x5a: {  	_ =	shalt  }
0x5b: {  	_ =	shalt  }
0x5c: {  	_ =	shalt  }
0x5d: {  	_ =	shalt  }
0x5e: {  	_ =	shalt  }
0x5f: {  	_ =	shalt  }
0x60: {  	_ =	shalt  }
0x61: {  	_ =	shalt  }
0x62: {  	_ =	shalt  }
0x63: {  	_ =	shalt  }
0x64: {  	_ =	shalt  }
0x65: {  	_ =	shalt  }
0x66: {  	_ =	shalt  }
0x67: {  	_ =	shalt  }
0x68: {  	_ =	shalt  }
0x69: {  	_ =	shalt  }
0x6a: {  	_ =	shalt  }
0x6b: {  	_ =	shalt  }
0x6c: {  	_ =	shalt  }
0x6d: {  	_ =	shalt  }
0x6e: {  	_ =	shalt  }
0x6f: {  	_ =	shalt  }
0x70: {  	_ =	shalt  }
0x71: {  	_ =	shalt  }
0x72: {  	_ =	shalt  }
0x73: {  	_ =	shalt  }
0x74: {  	_ =	shalt  }
0x75: {  	_ =	shalt  }
0x76: {  	_ =	shalt  }
0x77: {  	_ =	shalt  }
0x78: {  	_ =	shalt  }
0x79: {  	_ =	shalt  }
0x7a: {  	_ =	shalt  }
0x7b: {  	_ =	shalt  }
0x7c: {  	_ =	shalt  }
0x7d: {  	_ =	shalt  }
0x7e: {  	_ =	shalt  }
0x7f: {  	_ =	shalt  }
0x80: {  	_ =	shalt  }
0x81: {  	_ =	shalt  }
0x82: {  	_ =	shalt  }
0x83: {  	_ =	shalt  }
0x84: {  	_ =	shalt  }
0x85: {  	_ =	shalt  }
0x86: {  	_ =	shalt  }
0x87: {  	_ =	shalt  }
.Lfunc_end0:
.L_simem_size_0:
called_computation.1_lowered:
.L_overlay_start_0:
0x88: {  	s2 =	sld [smem:$0x3FD9]  }
0x89: {  	s3 =	sld [smem:$0x3FFE];
	_ =	sdelay $0x1  }
0x8a: {  	s1 =	srdreg.scid  }
0x8b: {  	s0 =	sand.u32 $0x1, s1  }
0x8c: {  	s14 =	sshll.u32 s0, $0xA;
	s2 =	sadd.s32 s3, s2  }
0x8d: {  	s2 =	sadd.s32 s2, s14  }
0x8e: {  	[smem:$0x3FB6] =	sst s2  }
0x8f: {  	_ = 	snop  }
0x90: {  	s2 =	sld [smem:$0x3FD0];
	_ =	sdelay $0x2  }
0x91: {  	s4 =	simm.s32 $0xA;
	s5 =	simm.s32 $0x10;
	s15 =	sld [smem:$0x3FC7]  }
0x92: {  	[smem:s5], [sflag:s4] =	dma.local [hbm:s2], $0x1  }
0x93: {  	_ =	swait.eq [sflag:s4], $0x1  }
0x94: {  	[sflag:s4] =	ssyncset.done $0x0  }
0x95: {  	[sflag:s4] =	ssyncadd.s32 $0xFFFFFFFF  }
0x96: {  	s16 =	sld [smem:$0x11];
	(tm) =	ssettm $0x1  }
0x97: {  	s17 =	sld [smem:$0x3FFB];
	_ =	sdelay $0x3  }
0x98: {  	_ =	strace s17  }
0x99: {  	s4 =	sld [smem:$0x3FFC];
	_ =	sdelay $0x3  }
0x9a: {  	_ =	strace s4  }
0x9b: {  	s4 =	sld [smem:$0x3FFD];
	_ =	sdelay $0x3  }
0x9c: {  	_ =	strace s4  }
0x9d: {  	_ =	strace $0x8FFFFFFF  }
0x9e: {  	s18 =	sld [smem:$0x3FDB];
	_ =	sdelay $0x1  }
0x9f: {  	s19 =	simm.s32 $_scs_section_size  }
0xa0: {  	s6 =	simm.s32 $_size__tile_overlayer_lowered;
	s7 =	simm.s32 $_tile_overlayer_lowered  }
0xa1: {  	s22 =	simm.s32 $0x1BFF;
	s21 =	sshll.u32 s7, $0x1;
	s4 =	sadd.s32 s19, s18  }
0xa2: {  	s8 =	simm.s32 $0x0;
	s20 =	sshll.u32 s6, $0x1;
	s6 =	sadd.s32 s21, s4  }
0xa3: {  	[timem:s8], [sflag:s22] =	dma.local [hbm:s6], s20  }
0xa4: {  	_ =	swait.ge [sflag:s22], s20  }
0xa5: {  	s5 =	ssub.s32 $0x0, s20;
	[sflag:s22] =	ssyncset.done $0x0  }
0xa6: {  	[sflag:s22] =	ssyncadd.s32 s5;
	_ =	sdelay $0x1  }
0xa7: {  	s23 =	simm.s32 $0x1B8B  }
0xa8: {  	_ =	swait.ge [sflag:s23], $0x1  }
0xa9: {  	[sflag:s23] =	ssyncset.done $0x0  }
0xaa: {  	s25 =	simm.s32 $0x1B8E;
	s24 =	sld [smem:$0x3FFE];
	[sflag:s23] =	ssyncadd.s32 $0xFFFFFFFF  }
0xab: {  	s26 =	simm.s32 $execute0_lowered;
	[smem:$0x3FD2] =	sst s25  }
0xac: {  	s6 =	sshll.u32 s26, $0x1;
	_ =	strace $0x80000049;
	[dreg:$0x1] =	wrdreg $0xFFFFFFFF  }
0xad: {  	s28 =	simm.s32 $_size_execute0_lowered;
	s4 =	sadd.s32 s4, s6;
	[dreg:$0x0] =	wrdreg $0x0  }
0xae: {  	s6 =	sshll.u32 s28, $0x1;
	[dreg:$0x2] =	wrdreg s4  }
0xaf: {  	[dreg:$0x3] =	wrdreg s6  }
0xb0: {  	[dreg:$0x4] =	wrdreg $0xC0  }
0xb1: {  	_ =	task [dreg:s8], $0x5FFFF  }
0xb2: {  	[dreg:$0x1] =	wrdreg $0xFFFFFFFF  }
0xb3: {  	[dreg:$0x0] =	wrdreg $0x60  }
0xb4: {  	[dreg:$0x2] =	wrdreg s16  }
0xb5: {  	[dreg:$0x3] =	wrdreg s24  }
0xb6: {  	[dreg:$0x4] =	wrdreg s15  }
0xb7: {  	[dreg:$0x5] =	wrdreg $0x115580  }
0xb8: {  	[dreg:$0x6] =	wrdreg $0x4D580  }
0xb9: {  	[dreg:$0x7] =	wrdreg $0x9  }
0xba: {  	_ =	task.clear_ibuf [dreg:s8], $0x8FFFF;
	_ =	strace $0x90000049  }
0xbb: {  	s29 =	simm.s32 $0x9;
	_ =	strace $0x8000004B  }
0xbc: {  	_ =	swait.ge [sflag:s29], $0x1  }
0xbd: {  	[sflag:s29] =	ssyncadd.s32 $0xFFFFFFFF  }
0xbe: {  	_ =	strace $0x9000004B  }
0xbf: {  	_ =	sfence  }
0xc0: {  	s30 =	sld [smem:$0x0];
	_ =	sdelay $0x2  }
0xc1: {  	s31 =	sshll.u32 s1, $0xD;
	s1 =	sshrl.u32 s1, $0x2  }
0xc2: {  	s3 =	sand.u32 $0x4000, s31;
	s1 =	sadd.s32 s1, s30  }
0xc3: {  	s0 =	sor.u32 s3, s0;
	s1 =	sshll.u32 s1, $0x11  }
0xc4: {  	s0 =	sor.u32 s1, s0  }
0xc5: {  	s0 =	sadd.s32 $0x8F2B, s0  }
0xc6: {  	[sflag:s0] =	ssyncadd.remote.s32 $0x1  }
0xc7: {  	_ =	sfence.sel $0xFFFF  }
0xc8: {  	[dreg:$0x0] =	wrdreg $0xFFFFFFFF;
	(pc) =	sbr.abs _section_cstart, $3  }
0xc9: {  	[dreg:$0x1] =	wrdreg $0xFFFFFFFF  }
0xca: {  	_ =	task.clear_ibuf [dreg:s8], $0x2FFFF;
	_ =	strace $0x9FFFFFFF  }
0xcb: {  	(tm) =	ssettm $0x7FFFFFFF  }
tec
execute0_lowered:
.L_overlay_start_1:
0x0: {  	(tag) =	ssettag $0x1  }
0x1: {  	s1 =	rddreg [dreg:$0x0]  }
0x2: {  	s0 =	rddreg [dreg:$0x1]  }
0x3: {  	s2 =	rddreg [dreg:$0x2]  }
0x4: {  	s3 =	rddreg [dreg:$0x3]  }
0x5: {  	s4 =	rddreg [dreg:$0x4];
	s5 =	simm.s32 $0x0;
	s18 =	srdreg.scid  }
0x6: {  	s15 =	stileid.u32;
	s28 =	simm.s32 $0x3458;
	s29 =	simm.s32 $0x3138  }
0x7: {  	s30 =	simm.s32 $0x3E8;
	s31 =	simm.s32 $0x7D0;
	[smem:$0x7FF] =	sst s5  }
0x8: {  	s7 =	sadd.s32 $0x3E00, s0;
	s5 =	sand.u32 $0x1, s18;
	s12 =	smul.u32 $0x32000, s15  }
0x9: {  	s8 =	sadd.s32 $0x3B000, s0;
	s9 =	sadd.s32 $0x34C00, s0;
	s10 =	sadd.s32 $0x37E00, s0  }
0xa: {  	s11 =	smul.u32 $0x1900, s15;
	s6 =	ssub.s32 $0x2, s5;
	s12 =	sshrl.u32 s12, $0x2  }
0xb: {  	_ =	strace $0x8000004A;
	s13 =	sshrl.u32 s6, $0x1;
	s12 =	sadd.s32 s12, s3  }
0xc: {  	s6 =	ssub.s32 s6, s13;
	s19 =	sadd.s32 $0xBB80, s12;
	[dreg:$0x6] =	wrdreg s12  }
0xd: {  	s14 =	sshll.u32 s5, $0x4;
	s6 =	smax.u32 s6, $0x1;
	[dreg:$0x7] =	wrdreg s19  }
0xe: {  	p0 =	seq.s32 s5, $0x1;
	s22 =	sadd.s32 $0x1F40, s12;
	[dreg:$0x8] =	wrdreg s6  }
0xf: {  	s14 =	sor.u32 s15, s14;
	s23 =	sadd.s32 $0x3E80, s12;
	[dreg:$0x9] =	wrdreg s22  }
0x10: {  	s15 =	smul.u32 $0xC800, s15;
	s24 =	sadd.s32 $0x5DC0, s12;
	[dreg:$0xa] =	wrdreg s23  }
0x11: {  	s14 =	smul.u32 $0xC350, s14;
	s25 =	sadd.s32 $0x7D00, s12;
	[dreg:$0xb] =	wrdreg s24  }
0x12: {  	s20 =	sshrl.u32 s15, $0x3;
	s12 =	sadd.s32 $0x9C40, s12;
	[dreg:$0xc] =	wrdreg s25  }
0x13: {  	s21 =	sadd.s32 s15, s3;
	s6 =	simm.s32 $0x54000;
	[dreg:$0xd] =	wrdreg s12  }
0x14: {  	s22 =	simm.s32 $0xBB8;
	s23 =	simm.s32 $0x2;
	s6 =	simm.s32 @!p0 $0x6D000  }
0x15: {  	v2 =	vlaneseq.u32;
	s24 =	simm.s32 $0x2AF8;
	s26 =	sshrl.u32 s21, $0x3;
	s0 =	sadd.s32 s6, s0  }
0x16: {  	v0 =	vshrl.u32 v2, $0x3;
	[dreg:$0xf] =	wrdreg s26;
	s26 =	simm.s32 $0x2E18;
	s0 =	sadd.s32 s0, s20  }
0x17: {  	v3 =	vimm.f32 $0.0e+00;
	v2 =	vand.u32 $0x7, v2;
	v1 =	vmul.u32 $0x8, v0;
	s6 =	simm.s32 $0x0;
	[dreg:$0xe] =	wrdreg s0;
	s0 =	simm.s32 $0x1  }
.LBB2_1:
0x18: {  	s5 =	simm.s32 $0x0  }
0x19: {  	v4 =	vmov s5  }
0x1a: {  	v4 =	vshll.u32 v4, $0x3  }
0x1b: {  	v4 =	vor.u32 v1, v4  }
0x1c: {  	[dreg:$0x10] =	wrdreg s6;
	s6 =	simm.s32 $0x2;
	v4 =	vor.u32 v2, v4  }
.LBB2_2:
0x1d: {  	p0 =	sne.s32 s6, $0x3E6  }
.Ltmp0:
0x1e: {  	_ = 	snop;
	(pc) =	sbr.rel @p0 .LBB2_2-.Ltmp0, $4  }
0x1f: {  	v5 =	vmov s6  }
0x20: {  	v5 =	vshll.u32 v5, $0x3  }
0x21: {  	v5 =	vor.u32 v1, v5  }
0x22: {  	s6 =	sadd.s32 $0x2, s6;
	[tilespmem:v4+s22+$0x0] =	vst.idx.msk $0xffff, v3;
	v4 =	vor.u32 v2, v5  }
0x23: {  	_ =	sdelay $0x3  }
0x24: {  	[tilespmem:v4+s22+$0x0] =	vst.idx.msk $0xffff, v3;
	s5 =	rddreg [dreg:$0x6]  }
0x25: {  	[spmem:s5] =	stream.linear.scatter [tilespmem:s22], [sflag:$0x2], $0x1F40, $0x38;
	[tilespmem:$0x1DD58] =	vst v63  }
0x26: {  	_ =	swait.ge [sflag:s23], $0x1F40  }
0x27: {  	[sflag:s23] =	ssyncset.done $0x0  }
0x28: {  	s17 =	rddreg [dreg:$0x9];
	[sflag:s23] =	ssyncadd.s32 $0xFFFFE0C0  }
0x29: {  	[spmem:s17] =	stream.linear.scatter [tilespmem:s22], [sflag:$0x2], $0x1F40, $0x38;
	[tilespmem:$0x1DD58] =	vst v63  }
0x2a: {  	_ =	swait.ge [sflag:s23], $0x1F40  }
0x2b: {  	[sflag:s23] =	ssyncset.done $0x0  }
0x2c: {  	s18 =	rddreg [dreg:$0xa];
	[sflag:s23] =	ssyncadd.s32 $0xFFFFE0C0  }
0x2d: {  	[spmem:s18] =	stream.linear.scatter [tilespmem:s22], [sflag:$0x2], $0x1F40, $0x38;
	[tilespmem:$0x1DD58] =	vst v63  }
0x2e: {  	_ =	swait.ge [sflag:s23], $0x1F40  }
0x2f: {  	[sflag:s23] =	ssyncset.done $0x0  }
0x30: {  	s19 =	rddreg [dreg:$0xb];
	[sflag:s23] =	ssyncadd.s32 $0xFFFFE0C0  }
0x31: {  	[spmem:s19] =	stream.linear.scatter [tilespmem:s22], [sflag:$0x2], $0x1F40, $0x38;
	[tilespmem:$0x1DD58] =	vst v63  }
0x32: {  	_ =	swait.ge [sflag:s23], $0x1F40  }
0x33: {  	[sflag:s23] =	ssyncset.done $0x0  }
0x34: {  	s20 =	rddreg [dreg:$0xc];
	[sflag:s23] =	ssyncadd.s32 $0xFFFFE0C0  }
0x35: {  	[spmem:s20] =	stream.linear.scatter [tilespmem:s22], [sflag:$0x2], $0x1F40, $0x38;
	[tilespmem:$0x1DD58] =	vst v63  }
0x36: {  	_ =	swait.ge [sflag:s23], $0x1F40  }
0x37: {  	[sflag:s23] =	ssyncset.done $0x0  }
0x38: {  	s21 =	rddreg [dreg:$0xd];
	[sflag:s23] =	ssyncadd.s32 $0xFFFFE0C0  }
0x39: {  	[spmem:s21] =	stream.linear.scatter [tilespmem:s22], [sflag:$0x2], $0x1F40, $0x38;
	[tilespmem:$0x1DD58] =	vst v63  }
0x3a: {  	_ =	swait.ge [sflag:s23], $0x1F40  }
0x3b: {  	[sflag:s23] =	ssyncset.done $0x0  }
0x3c: {  	s25 =	rddreg [dreg:$0x7];
	[sflag:s23] =	ssyncadd.s32 $0xFFFFE0C0  }
0x3d: {  	[spmem:s25] =	stream.linear.scatter [tilespmem:s22], [sflag:$0x2], $0xC80, $0x38;
	[tilespmem:$0x1DD58] =	vst v63  }
0x3e: {  	_ =	swait.ge [sflag:s23], $0xC80  }
0x3f: {  	[sflag:s23] =	ssyncset.done $0x0  }
0x40: {  	s6 =	simm.s32 $0x0;
	s13 =	simm.s32 $0x0;
	[sflag:s23] =	ssyncadd.s32 $0xFFFFF380  }
.LBB2_4:
0x41: {  	s15 =	smul.u32 $0x320, s13;
	_ =	sdelay $0x1  }
0x42: {  	s15 =	sadd.s32 s11, s15  }
0x43: {  	s16 =	sshrl.u32 s15, $0x3  }
0x44: {  	s17 =	sadd.s32 s9, s16  }
0x45: {  	[tilespmem:s24], [sflag:$0x2] =	stream.linear.gather [hbm4b:s17+s6], $0x320, $0x38;
	[tilespmem:$0x1DD58] =	vst v63  }
0x46: {  	_ =	swait.ge [sflag:s23], $0x320  }
0x47: {  	[sflag:s23] =	ssyncset.done $0x0  }
0x48: {  	s16 =	sadd.s32 s10, s16;
	[sflag:s23] =	ssyncadd.s32 $0xFFFFFCE0  }
0x49: {  	[tilespmem:s26], [sflag:$0x2] =	stream.linear.gather [hbm4b:s16+s6], $0x320, $0x38;
	[tilespmem:$0x1DD58] =	vst v63  }
0x4a: {  	_ =	swait.ge [sflag:s23], $0x320  }
0x4b: {  	[sflag:s23] =	ssyncset.done $0x0  }
0x4c: {  	s25 =	sadd.s32 s8, s15;
	[sflag:s23] =	ssyncadd.s32 $0xFFFFFCE0  }
0x4d: {  	[tilespmem:s28], [sflag:$0x2] =	stream.linear.gather [hbm4b:s25+s6], $0x1900, $0x38;
	[tilespmem:$0x1DD58] =	vst v63  }
0x4e: {  	_ =	swait.ge [sflag:s23], $0x1900  }
0x4f: {  	[sflag:s23] =	ssyncset.done $0x0  }
0x50: {  	s17 =	simm.s32 $0x0;
	[sflag:s23] =	ssyncadd.s32 $0xFFFFE700  }
0x51: {  	v4 =	vld [tilespmem:s17+$0x2AF8];
	_ =	sdelay $0x1  }
0x52: {  	v5 =	vld [tilespmem:s17+$0x2E18];
	_ =	sdelay $0x1  }
0x53: {  	s16 =	simm.s32 $0x10  }
0x54: {  	v6 =	vld [tilespmem:s16+$0x2AF8];
	v4 =	vadd.f32 $1.000000000e+00, v4;
	_ =	sdelay $0x1  }
0x55: {  	v4 =	vadd.f32 v5, v4;
	v5 =	vld [tilespmem:s16+$0x2E18];
	_ =	sdelay $0x1  }
0x56: {  	s18 =	simm.s32 $0x20;
	v7 =	vshrl.u32 v4, $0x1;
	v10 =	vmul.f32 $5.000000000e-01, v4  }
0x57: {  	v4 =	vadd.f32 $1.000000000e+00, v6;
	v6 =	vld [tilespmem:s18+$0x2AF8];
	v7 =	vsub.s32 $0x5F3759DF, v7  }
0x58: {  	v8 =	vmul.f32 v7, v10  }
0x59: {  	v4 =	vadd.f32 v5, v4;
	v5 =	vld [tilespmem:s18+$0x2E18]  }
0x5a: {  	v8 =	vmul.f32 v7, v8  }
0x5b: {  	v9 =	vshrl.u32 v4, $0x1;
	v4 =	vmul.f32 $5.000000000e-01, v4  }
0x5c: {  	v6 =	vadd.f32 $1.000000000e+00, v6;
	v8 =	vsub.f32 $1.500000000e+00, v8;
	v9 =	vsub.s32 $0x5F3759DF, v9  }
0x5d: {  	s19 =	simm.s32 $0x30;
	v12 =	vmul.f32 v9, v4  }
0x5e: {  	v11 =	vld [tilespmem:s19+$0x2AF8];
	v7 =	vmul.f32 v7, v8;
	v5 =	vadd.f32 v5, v6  }
0x5f: {  	v8 =	vmul.f32 v9, v12  }
0x60: {  	s20 =	simm.s32 $0x40;
	v13 =	vld [tilespmem:s19+$0x2E18];
	v12 =	vmul.f32 v7, v10;
	v15 =	vshrl.u32 v5, $0x1;
	v6 =	vmul.f32 $5.000000000e-01, v5  }
0x61: {  	v14 =	vld [tilespmem:s20+$0x2AF8];
	v15 =	vsub.s32 $0x5F3759DF, v15  }
0x62: {  	v5 =	vsub.f32 $1.500000000e+00, v8;
	v12 =	vmul.f32 v12, v7;
	v16 =	vmul.f32 v15, v6  }
0x63: {  	v11 =	vadd.f32 $1.000000000e+00, v11  }
0x64: {  	v8 =	vmul.f32 v9, v5;
	v5 =	vsub.f32 $1.500000000e+00, v12;
	v12 =	vmul.f32 v15, v16  }
0x65: {  	v9 =	vadd.f32 v13, v11  }
0x66: {  	v11 =	vld [tilespmem:s20+$0x2E18];
	v13 =	vadd.f32 $1.000000000e+00, v14;
	v5 =	vmul.f32 v5, v7;
	v12 =	vsub.f32 $1.500000000e+00, v12  }
0x67: {  	s21 =	simm.s32 $0x50;
	v14 =	vmul.f32 v8, v4;
	v16 =	vshrl.u32 v9, $0x1;
	v7 =	vmul.f32 $5.000000000e-01, v9  }
0x68: {  	v9 =	vsub.s32 $0x5F3759DF, v16;
	v16 =	vmul.f32 v5, v10;
	v10 =	vmul.f32 v15, v12;
	v12 =	vld [tilespmem:s21+$0x2AF8]  }
0x69: {  	v17 =	vmul.f32 v14, v8  }
0x6a: {  	v14 =	vmul.f32 v9, v7  }
0x6b: {  	s25 =	simm.s32 $0x180;
	v15 =	vadd.f32 v11, v13;
	v13 =	vsub.f32 $1.500000000e+00, v17;
	v11 =	vmul.f32 v16, v5  }
.LBB2_5:
0x6c: {  	s12 =	sshra.s32 s25, $0x2  }
0x6d: {  	v16 =	vadd.f32 $1.000000000e+00, v12;
	v17 =	vld [tilespmem:s21+$0x2E18];
	v14 =	vmul.f32 v9, v14;
	v18 =	vmul.f32 v10, v6;
	s5 =	smov.u32 s16;
	s16 =	smov.u32 s18;
	p0 =	sne.s32 s25, $0xC40  }
.Ltmp1:
0x6e: {  	s18 =	smov.u32 s19;
	s19 =	smov.u32 s20;
	v12 =	vld [tilespmem:s12+$0x2AF8];
	v19 =	vshrl.u32 v15, $0x1;
	v13 =	vmul.f32 v13, v8;
	v11 =	vsub.f32 $1.500000000e+00, v11;
	v8 =	vmovc v10;
	(pc) =	sbr.rel @p0 .LBB2_5-.Ltmp1, $4  }
0x6f: {  	s20 =	smov.u32 s21;
	v15 =	vmul.f32 $5.000000000e-01, v15;
	s21 =	smov.u32 s12;
	v10 =	vsub.f32 $1.500000000e+00, v14;
	v18 =	vmul.f32 v18, v8  }
0x70: {  	v19 =	vsub.s32 $0x5F3759DF, v19;
	v20 =	vmul.f32 v13, v4;
	v21 =	vmul.f32 v11, v5;
	v5 =	vmovc v13;
	v4 =	vmovc v6  }
0x71: {  	v14 =	vmul.f32 v19, v15;
	v6 =	vmovc v7;
	v7 =	vmovc v15;
	v10 =	vmul.f32 v9, v10;
	v9 =	vmov v19  }
0x72: {  	s25 =	sadd.s32 $0x40, s25;
	v13 =	vsub.f32 $1.500000000e+00, v18;
	v15 =	vadd.f32 v17, v16;
	v11 =	vmul.f32 v20, v5;
	[tilespmem:s17+$0x3138] =	vst v21;
	s17 =	smov.u32 s5  }
0x73: {  	v16 =	vld [tilespmem:s21+$0x2E18];
	_ =	sdelay $0x2  }
0x74: {  	v12 =	vadd.f32 $1.000000000e+00, v12;
	_ =	sdelay $0x1  }
0x75: {  	v12 =	vadd.f32 v16, v12  }
0x76: {  	v56 =	vshrl.u32 v15, $0x1;
	v57 =	vmul.f32 $5.000000000e-01, v15  }
0x77: {  	v16 =	vsub.s32 $0x5F3759DF, v56;
	v17 =	vshrl.u32 v12, $0x1;
	v12 =	vmul.f32 $5.000000000e-01, v12  }
0x78: {  	v18 =	vmul.f32 v16, v57;
	v17 =	vsub.s32 $0x5F3759DF, v17  }
0x79: {  	v14 =	vmul.f32 v9, v14;
	v19 =	vmul.f32 v17, v12  }
0x7a: {  	v18 =	vmul.f32 v16, v18  }
0x7b: {  	v14 =	vsub.f32 $1.500000000e+00, v14;
	v19 =	vmul.f32 v17, v19  }
0x7c: {  	v18 =	vsub.f32 $1.500000000e+00, v18  }
0x7d: {  	v58 =	vmul.f32 v10, v6;
	v9 =	vmul.f32 v9, v14;
	v19 =	vsub.f32 $1.500000000e+00, v19  }
0x7e: {  	v8 =	vmul.f32 v13, v8;
	v59 =	vmul.f32 v16, v18  }
0x7f: {  	v60 =	vmul.f32 v9, v7;
	v17 =	vmul.f32 v17, v19  }
0x80: {  	v14 =	vmul.f32 v58, v10;
	v18 =	vmul.f32 v59, v57  }
0x81: {  	v16 =	vmul.f32 v60, v9;
	v19 =	vmul.f32 v17, v12  }
0x82: {  	v14 =	vsub.f32 $1.500000000e+00, v14;
	v18 =	vmul.f32 v18, v59  }
0x83: {  	v4 =	vmul.f32 v8, v4;
	v16 =	vsub.f32 $1.500000000e+00, v16;
	v19 =	vmul.f32 v19, v17  }
0x84: {  	v10 =	vmul.f32 v14, v10;
	v61 =	vsub.f32 $1.500000000e+00, v18  }
0x85: {  	v4 =	vmul.f32 v4, v8;
	v9 =	vmul.f32 v16, v9;
	v62 =	vsub.f32 $1.500000000e+00, v19  }
0x86: {  	s5 =	simm.s32 $0x0;
	v6 =	vmul.f32 v10, v6;
	v13 =	vmul.f32 v61, v59  }
0x87: {  	v63 =	vor.u32 s5, v0;
	v7 =	vmul.f32 v9, v7;
	v16 =	vmul.f32 v62, v17  }
0x88: {  	v11 =	vsub.f32 $1.500000000e+00, v11;
	v6 =	vmul.f32 v6, v10;
	v15 =	vmul.f32 v13, v57  }
0x89: {  	v4 =	vsub.f32 $1.500000000e+00, v4;
	v7 =	vmul.f32 v7, v9;
	v12 =	vmul.f32 v16, v12  }
0x8a: {  	v5 =	vmul.f32 v11, v5;
	v6 =	vsub.f32 $1.500000000e+00, v6;
	v11 =	vmul.f32 v15, v13  }
0x8b: {  	v4 =	vmul.f32 v4, v8;
	v7 =	vsub.f32 $1.500000000e+00, v7;
	v8 =	vmul.f32 v12, v16  }
0x8c: {  	[tilespmem:s17+$0x3138] =	vst v5;
	v5 =	vmul.f32 v6, v10;
	v10 =	vshll.u32 v63, $0x3;
	v6 =	vsub.f32 $1.500000000e+00, v11  }
0x8d: {  	[tilespmem:s16+$0x3138] =	vst v4;
	v4 =	vor.u32 v2, v10;
	v7 =	vmul.f32 v7, v9;
	v8 =	vsub.f32 $1.500000000e+00, v8  }
0x8e: {  	[tilespmem:s18+$0x3138] =	vst v5;
	v5 =	vmul.f32 v6, v13  }
0x8f: {  	[tilespmem:s19+$0x3138] =	vst v7;
	v6 =	vmul.f32 v8, v16  }
0x90: {  	[tilespmem:s20+$0x3138] =	vst v5  }
0x91: {  	[tilespmem:s21+$0x3138] =	vst v6  }
0x92: {  	v6 =	vld.idx.msk [tilespmem:v4+s28+$0x0], $0xffff  }
0x93: {  	s25 =	simm.s32 $0x2;
	v7 =	vld.idx.msk [tilespmem:v63+s29+$0x0], $0xffff  }
0x94: {  	v5 =	vor.u32 s25, v0  }
0x95: {  	s16 =	simm.s32 $0x4;
	v8 =	vshll.u32 v5, $0x3  }
.LBB2_7:
0x96: {  	p0 =	sne.s32 s16, $0x31E;
	v8 =	vor.u32 v2, v8;
	_ =	sdelay $0x1  }
0x97: {  	v6 =	vmul.f32 v6, v7;
	_ =	sdelay $0x1  }
0x98: {  	[tilespmem:v4+s28+$0x0] =	vst.idx.msk $0xffff, v6;
	v4 =	vmov v8  }
.Ltmp2:
0x99: {  	v6 =	vld.idx.msk [tilespmem:v8+s28+$0x0], $0xffff;
	(pc) =	sbr.rel @p0 .LBB2_7-.Ltmp2, $3  }
0x9a: {  	v7 =	vld.idx.msk [tilespmem:v5+s29+$0x0], $0xffff;
	_ =	sdelay $0x1  }
0x9b: {  	v5 =	vor.u32 s16, v0  }
0x9c: {  	s16 =	sadd.s32 $0x2, s16;
	v8 =	vshll.u32 v5, $0x3  }
0x9d: {  	_ = 	snop  }
0x9e: {  	v8 =	vor.u32 v2, v8  }
0x9f: {  	v6 =	vmul.f32 v6, v7;
	_ =	sdelay $0x1  }
0xa0: {  	[tilespmem:v4+s28+$0x0] =	vst.idx.msk $0xffff, v6  }
0xa1: {  	v5 =	vld.idx.msk [tilespmem:v5+s29+$0x0], $0xffff  }
0xa2: {  	v4 =	vld.idx.msk [tilespmem:v8+s28+$0x0], $0xffff;
	_ =	sdelay $0x4  }
0xa3: {  	s5 =	sshll.u32 s15, $0x3;
	s13 =	sadd.s32 $0x1, s13;
	v4 =	vmul.f32 v4, v5  }
0xa4: {  	s5 =	sand.u32 $0x3FFFFFF8, s5;
	p0 =	sne.s32 s13, $0x8  }
.Ltmp3:
0xa5: {  	s5 =	sadd.s32 s5, s4;
	[tilespmem:v8+s28+$0x0] =	vst.idx.msk $0xffff, v4;
	(pc) =	sbr.rel @p0 .LBB2_4-.Ltmp3, $4  }
0xa6: {  	[spmem:s5] =	stream.linear.scatter [tilespmem:s28], [sflag:$0x2], $0x1900, $0x38;
	[tilespmem:$0x1DD58] =	vst v63  }
0xa7: {  	_ =	swait.ge [sflag:s23], $0x1900  }
0xa8: {  	[sflag:s23] =	ssyncset.done $0x0  }
0xa9: {  	[sflag:s23] =	ssyncadd.s32 $0xFFFFE700  }
0xaa: {  	[bflag:$0x0] =	sbarrier.arrive $0xFFFF;
	s6 =	simm.s32 $0x0;
	s13 =	simm.s32 $0x0  }
.LBB2_10:
0xab: {  	s5 =	smul.u32 $0x3E8, s13;
	_ =	sdelay $0x1  }
0xac: {  	s5 =	sadd.s32 s14, s5  }
0xad: {  	s5 =	sshrl.u32 s5, $0x3  }
0xae: {  	s12 =	sadd.s32 s1, s5  }
0xaf: {  	[tilespmem:s6], [sflag:$0x2] =	stream.linear.gather [hbm4b:s12+s6], $0x3E8, $0x38;
	[tilespmem:$0x1DD58] =	vst v63  }
0xb0: {  	_ =	swait.ge [sflag:s23], $0x3E8  }
0xb1: {  	[sflag:s23] =	ssyncset.done $0x0  }
0xb2: {  	s21 =	sadd.s32 s7, s5;
	[sflag:s23] =	ssyncadd.s32 $0xFFFFFC18  }
0xb3: {  	[tilespmem:s30], [sflag:$0x2] =	stream.linear.gather [hbm4b:s21+s6], $0x3E8, $0x38;
	[tilespmem:$0x1DD58] =	vst v63  }
0xb4: {  	_ =	swait.ge [sflag:s23], $0x3E8  }
0xb5: {  	[sflag:s23] =	ssyncset.done $0x0  }
0xb6: {  	s5 =	sadd.s32 s2, s5;
	[sflag:s23] =	ssyncadd.s32 $0xFFFFFC18  }
0xb7: {  	[tilespmem:s31], [sflag:$0x2] =	stream.linear.gather [hbm4b:s5+s6], $0x3E8, $0x38;
	[tilespmem:$0x1DD58] =	vst v63  }
0xb8: {  	v7 =	vor.u32 s6, v0;
	_ =	swait.ge [sflag:s23], $0x3E8  }
0xb9: {  	v4 =	vshll.u32 v7, $0x3;
	[sflag:s23] =	ssyncset.done $0x0  }
0xba: {  	v4 =	vor.u32 v2, v4;
	[sflag:s23] =	ssyncadd.s32 $0xFFFFFC18  }
0xbb: {  	[tilespmem:s22], [sflag:$0x1] =	stream.indirect.gather [spmem:s4], $0x8, s6, s30, $0xb8;
	[tilespmem:$0x1DD58] =	vst v63  }
0xbc: {  	_ =	swait.ge [sflag:s0], $0x1F40  }
0xbd: {  	[sflag:s0] =	ssyncset.done $0x0  }
0xbe: {  	[sflag:s0] =	ssyncadd.s32 $0xFFFFE0C0  }
0xbf: {  	v6 =	vld.idx.msk [tilespmem:v4+s22+$0x0], $0xffff  }
0xc0: {  	s25 =	simm.s32 $0x2;
	v7 =	vld.idx.msk [tilespmem:v7+s31+$0x0], $0xffff  }
0xc1: {  	v5 =	vor.u32 s25, v0  }
0xc2: {  	s15 =	simm.s32 $0x4;
	v8 =	vshll.u32 v5, $0x3  }
.LBB2_11:
0xc3: {  	p0 =	sne.s32 s15, $0x3E6;
	v8 =	vor.u32 v2, v8;
	_ =	sdelay $0x1  }
0xc4: {  	v6 =	vmul.f32 v6, v7;
	_ =	sdelay $0x1  }
0xc5: {  	[tilespmem:v4+s22+$0x0] =	vst.idx.msk $0xffff, v6;
	v4 =	vmov v8  }
.Ltmp4:
0xc6: {  	v6 =	vld.idx.msk [tilespmem:v8+s22+$0x0], $0xffff;
	(pc) =	sbr.rel @p0 .LBB2_11-.Ltmp4, $3  }
0xc7: {  	v7 =	vld.idx.msk [tilespmem:v5+s31+$0x0], $0xffff;
	_ =	sdelay $0x1  }
0xc8: {  	v5 =	vor.u32 s15, v0  }
0xc9: {  	s15 =	sadd.s32 $0x2, s15;
	v8 =	vshll.u32 v5, $0x3  }
0xca: {  	_ = 	snop  }
0xcb: {  	v8 =	vor.u32 v2, v8  }
0xcc: {  	v6 =	vmul.f32 v6, v7;
	_ =	sdelay $0x1  }
0xcd: {  	[tilespmem:v4+s22+$0x0] =	vst.idx.msk $0xffff, v6  }
0xce: {  	v5 =	vld.idx.msk [tilespmem:v5+s31+$0x0], $0xffff  }
0xcf: {  	v4 =	vld.idx.msk [tilespmem:v8+s22+$0x0], $0xffff;
	_ =	sdelay $0x4  }
0xd0: {  	s13 =	sadd.s32 $0x1, s13;
	v4 =	vmul.f32 v4, v5  }
0xd1: {  	p0 =	sne.s32 s13, $0x32  }
.Ltmp5:
0xd2: {  	[tilespmem:v8+s22+$0x0] =	vst.idx.msk $0xffff, v4;
	(pc) =	sbr.rel @p0 .LBB2_10-.Ltmp5, $4  }
0xd3: {  	[spmem:s3] =	stream.indirect.scatter.add.f32 [tilespmem:s22], [sflag:$0x2], $0x8, s30, s30, $0xb8;
	[tilespmem:$0x1DD58] =	vst v63  }
0xd4: {  	_ =	swait.ge [sflag:s23], $0x1F40  }
0xd5: {  	[sflag:s23] =	ssyncset.done $0x0  }
0xd6: {  	[sflag:s23] =	ssyncadd.s32 $0xFFFFE0C0  }
0xd7: {  	s5 =	stileid.u32;
	[bflag:$0x0] =	sbarrier.arrive $0xFFFF  }
0xd8: {  	s5 =	sshll.u32 s5, $0x6;
	s6 =	rddreg [dreg:$0xe]  }
0xd9: {  	s12 =	rddreg [dreg:$0xf];
	s5 =	sor.u32 $0x1C02, s5  }
0xda: {  	[hbm:s6], [sflag:s5] =	dma.local [spmem:s12], $0x1900  }
0xdb: {  	_ =	swait.ge [sflag:s23], $0x1900  }
0xdc: {  	s21 =	rddreg [dreg:$0x10]  }
0xdd: {  	s25 =	rddreg [dreg:$0x8];
	s6 =	sadd.s32 $0x1, s21  }
0xde: {  	p0 =	sne.s32 s6, s25  }
.Ltmp6:
0xdf: {  	_ = 	snop;
	(pc) =	sbr.rel @p0 .LBB2_1-.Ltmp6, $3  }
0xe0: {  	_ =	sdelay $0x1  }
0xe1: {  	[sflag:s23] =	ssyncset.done $0x0  }
0xe2: {  	[sflag:s23] =	ssyncadd.s32 $0xFFFFE700  }
0xe3: {  	_ =	sfence.sel $0x180000  }
0xe4: {  	[bflag:$0x0] =	sbarrier.arrive $0xFFFF  }
0xe5: {  	_ =	strace $0x9000004A  }
0xe6: {  	s0 =	stileid.u32;
	[bflag:$0x2] =	sbarrier.arrive $0xFFFF  }
0xe7: {  	p0 =	sne.s32 s0, $0x0;
	s0 =	rddreg [dreg:$0x5]  }
0xe8: {  	s0 =	sadd.s32 @!p0 $0x100000, s0  }
0xe9: {  	[sflag:s0] =	ssyncadd.tile.s32 @!p0 $0x1;
	_ =	shalt  }
.Lfunc_end2:
_tile_overlayer_lowered:
.L_overlay_start_2:
0xea: {  	(tag) =	ssettag $0x2  }
0xeb: {  	s0 =	rddreg [dreg:$0x0];
	s2 =	stileid.u32  }
0xec: {  	s1 =	rddreg [dreg:$0x1];
	p0 =	sne.s32 s2, $0x0  }
0xed: {  	s3 =	rddreg [dreg:$0x2];
	[bflag:$0x3] =	sbarrier.arrive $0xFFFF;
	s2 =	simm.s32 @!p0 $0x1C02  }
0xee: {  	[timem:s3], [sflag:s2] =	dma.local @!p0 [hbm:s0], s1  }
0xef: {  	s0 =	simm.s32 @!p0 $0x2  }
0xf0: {  	_ =	swait.ge @!p0 [sflag:s0], s1  }
0xf1: {  	s1 =	ssub.s32 @!p0 $0x0, s1;
	[sflag:s0] =	ssyncset.done @!p0 $0x0  }
0xf2: {  	[sflag:s0] =	ssyncadd.s32 @!p0 s1  }
0xf3: {  	[bflag:$0x3] =	sbarrier.arrive $0xFFFF  }
0xf4: {  	_ =	shalt  }

</sc_bundles>
